<compile_context>
chip_gen: v7x
topology: tpu7x:2x2x1
jax: 0.10.2.dev20260603
libtpu: 0.0.44.dev20260713+nightly
codegen_flags: <defaults>
</compile_context>

<pallas_src>
import functools

import jax
import jax.numpy as jnp
from jax import lax
from jax.experimental import pallas as pl
from jax.experimental.pallas import tpu as pltpu
from jax.experimental.pallas import tpu_sc as plsc

_SEQ = 200
_BATCH = 4096
_EMB = 64
_VOCAB = 1000000
_NC = 2
_NS = 16
_NW = _NC * _NS
_BPW = _BATCH // _NW

_BCOL = 20480
_NBLK = (_VOCAB + _BCOL - 1) // _BCOL
_T2PAD = _NBLK * _BCOL


def _project(tableT, W1, b1, W2, b2):

    def body(tb_ref, w1_ref, w2_ref, b1_ref, b2_ref, p_ref, c_ref):
        mt = lax.dot_general(
            w2_ref[...], w1_ref[...], (((1,), (0,)), ((), ())),
            preferred_element_type=jnp.float32,
        )
        rt = lax.dot_general(
            mt, tb_ref[...], (((1,), (0,)), ((), ())),
            preferred_element_type=jnp.float32,
        )

        def rne16(v):
            u = lax.bitcast_convert_type(v, jnp.uint32)
            return (u + jnp.uint32(0x7FFF) + ((u >> 16) & jnp.uint32(1))) >> 16

        packed = (rne16(rt[0, :]) << 16) | rne16(rt[1, :])
        p_ref[...] = lax.bitcast_convert_type(packed, jnp.float32)
        c_ref[...] = lax.dot_general(
            w2_ref[...], b1_ref[...], (((1,), (0,)), ((), ())),
            preferred_element_type=jnp.float32,
        ) + b2_ref[...]

    return pl.pallas_call(
        body,
        grid=(_NBLK,),
        in_specs=[
            pl.BlockSpec((_EMB, _BCOL), lambda i: (0, i)),
            pl.BlockSpec((128, _EMB), lambda i: (0, 0)),
            pl.BlockSpec((2, 128), lambda i: (0, 0)),
            pl.BlockSpec((128, 16), lambda i: (0, 0)),
            pl.BlockSpec((2, 16), lambda i: (0, 0)),
        ],
        out_specs=[
            pl.BlockSpec((_BCOL,), lambda i: (i,)),
            pl.BlockSpec((2, 16), lambda i: (0, 0)),
        ],
        out_shape=[
            jax.ShapeDtypeStruct((_T2PAD,), jnp.float32),
            jax.ShapeDtypeStruct((2, 16), jnp.float32),
        ],
    )(tableT, W1, W2,
      jnp.broadcast_to(b1.reshape(-1, 1), (128, 16)),
      jnp.broadcast_to(b2.reshape(-1, 1), (2, 16)))


def _sc_pool(x, t2p, c):
    mesh = plsc.VectorSubcoreMesh(core_axis_name="c", subcore_axis_name="s")
    hi_mask = jnp.uint32(0xFFFF0000)

    @functools.partial(
        pl.kernel,
        mesh=mesh,
        out_type=jax.ShapeDtypeStruct((2, _BATCH), jnp.float32),
        scratch_types=[
            pltpu.VMEM((_SEQ, _BPW), jnp.int32),
            pltpu.VMEM((4, _BPW), jnp.float32),
            pltpu.VMEM((_BPW,), jnp.float32),
            pltpu.VMEM((_BPW,), jnp.float32),
            pltpu.VMEM((2, 16), jnp.float32),
            pltpu.SemaphoreType.DMA,
            pltpu.SemaphoreType.DMA,
            pltpu.SemaphoreType.DMA,
            pltpu.SemaphoreType.DMA,
        ],
        compiler_params=pltpu.CompilerParams(
            use_tc_tiling_on_sc=False, needs_layout_passes=False),
    )
    def body(x_hbm, p_hbm, c_hbm, out_hbm, idx_v, vp_v,
             ra_v, rb_v, c_v, s0, s1, s2, s3):
        sems = (s0, s1, s2, s3)
        wid = lax.axis_index("s") * _NC + lax.axis_index("c")
        base = wid * _BPW
        pltpu.sync_copy(x_hbm.at[:, pl.ds(base, _BPW)], idx_v)
        pltpu.sync_copy(c_hbm, c_v)

        for d in range(4):
            pltpu.async_copy(p_hbm.at[idx_v.at[d]], vp_v.at[d], sems[d])

        nch = _BPW // 16
        zeros = [jnp.zeros((16,), jnp.float32) for _ in range(2 * nch)]

        def step(i, acc):
            acc = list(acc)
            for d in range(4):
                s = 4 * i + d
                pltpu.make_async_copy(
                    p_hbm.at[idx_v.at[s]], vp_v.at[d], sems[d]).wait()
                for j in range(nch):
                    u = plsc.bitcast(vp_v[d, pl.ds(16 * j, 16)], jnp.uint32)
                    av = plsc.bitcast(u & hi_mask, jnp.float32)
                    bv = plsc.bitcast(u << 16, jnp.float32)
                    acc[j] = acc[j] + av
                    acc[nch + j] = acc[nch + j] + bv

                @pl.when(s + 4 < _SEQ)
                def _():
                    pltpu.async_copy(
                        p_hbm.at[idx_v.at[s + 4]], vp_v.at[d], sems[d])

            return tuple(acc)

        acc = lax.fori_loop(0, _SEQ // 4, step, tuple(zeros))

        inv = jnp.float32(1.0 / _SEQ)
        ca = c_v[0]
        cb = c_v[1]
        for j in range(nch):
            ra_v[pl.ds(16 * j, 16)] = acc[j] * inv + ca
            rb_v[pl.ds(16 * j, 16)] = acc[nch + j] * inv + cb
        pltpu.sync_copy(ra_v, out_hbm.at[0, pl.ds(base, _BPW)])
        pltpu.sync_copy(rb_v, out_hbm.at[1, pl.ds(base, _BPW)])

    return body(x, t2p, c)


def kernel(x, table, W1, b1, W2, b2):
    x = x.astype(jnp.int32)
    t2p, c = _project(table.T, W1, b1, W2, b2)
    out = _sc_pool(x, t2p, c)
    return out.T

# --- scband reference (transcript-rebuilt; emitter-appended) ---
"""Pipeline reference for scband-fast-text-10007273799984 (READ-ONLY COPY).

The authoritative reference and input builder live on the scoring server;
editing this copy changes nothing except your own understanding.
"""

import jax, jax.numpy as jnp
import numpy as np

VOCAB = 1000000
EMB = 64
HID = 128
NCLS = 2
PAD_IDX = 0
SEQ = 200
BATCH = 4096


def setup_inputs(seed: int = 0) -> dict:
    key = jax.random.key(seed)
    k_x, k_tab, k_w1, k_b1, k_w2, k_b2 = jax.random.split(key, 6)
    x = jax.random.randint(k_x, (SEQ, BATCH), 0, VOCAB, dtype=jnp.int64) if jax.config.jax_enable_x64 else jax.random.randint(k_x, (SEQ, BATCH), 0, VOCAB).astype(jnp.int32)
    table = jax.random.normal(k_tab, (VOCAB, EMB), dtype=jnp.float32)
    table = table.at[PAD_IDX].set(0.0)  # padding_idx row is zero
    W1 = jax.random.normal(k_w1, (HID, EMB), dtype=jnp.float32) * (1.0 / np.sqrt(EMB))
    b1 = jax.random.normal(k_b1, (HID,), dtype=jnp.float32) * 0.01
    W2 = jax.random.normal(k_w2, (NCLS, HID), dtype=jnp.float32) * (1.0 / np.sqrt(HID))
    b2 = jax.random.normal(k_b2, (NCLS,), dtype=jnp.float32) * 0.01
    return {"x": x, "table": table, "W1": W1, "b1": b1, "W2": W2, "b2": b2}


def reference(x, table, W1, b1, W2, b2):
    # Embedding lookup: [SEQ, BATCH] -> [SEQ, BATCH, EMB]
    emb = jnp.take(table, x, axis=0)
    # mean over dim=0 (sequence dimension): [BATCH, EMB]
    emb = emb.mean(axis=0)
    # dropout is identity in eval mode
    h = emb @ W1.T + b1
    out = h @ W2.T + b2
    return out

if __name__ == "__main__":
    import jax
    _d = setup_inputs()
    print(jax.jit(kernel)(*tuple(_d.values())))

</pallas_src>

<mosaic_0001>
#map = affine_map<(d0, d1) -> (0, 0)>
#map1 = affine_map<(d0, d1) -> (0)>
module attributes {stable_mosaic.version = 14 : i64} {
  func.func @_rewritten_body(%arg0: i32, %arg1: i32, %arg2: memref<200x4096xi32, #tpu.memory_space<hbm>>, %arg3: memref<1003520xf32, #tpu.memory_space<hbm>>, %arg4: memref<2x16xf32, #tpu.memory_space<hbm>>, %arg5: memref<1xi32, #tpu.memory_space<hbm>>, %arg6: memref<2x4096xf32, #tpu.memory_space<hbm>>, %arg7: memref<200x128xi32, #tpu.memory_space<vmem>>, %arg8: memref<4x128xf32, #tpu.memory_space<vmem>>, %arg9: memref<128xf32, #tpu.memory_space<vmem>>, %arg10: memref<128xf32, #tpu.memory_space<vmem>>, %arg11: memref<2x16xf32, #tpu.memory_space<vmem>>, %arg12: memref<!tpu.dma_semaphore, #tpu.memory_space<semaphore_mem>>, %arg13: memref<!tpu.dma_semaphore, #tpu.memory_space<semaphore_mem>>, %arg14: memref<!tpu.dma_semaphore, #tpu.memory_space<semaphore_mem>>, %arg15: memref<!tpu.dma_semaphore, #tpu.memory_space<semaphore_mem>>) attributes {dimension_semantics = [#tpu.dimension_semantics<core_parallel>, #tpu.dimension_semantics<subcore_parallel>], iteration_bounds = array<i64: 2, 16>, scalar_prefetch = 0 : i64, scratch_operands = 9 : i64, tpu.core_type = #tpu.core_type<sc_vector_subcore>, window_params = [{transform_indices = #map}, {transform_indices = #map1}, {transform_indices = #map}, {transform_indices = #map1}, {transform_indices = #map}]} {
    %empty_ref3A = memref.alloca() : memref<16xi32, #tpu.memory_space<vmem>>
    "tpu.region"() ({
      %run_scoped3A_183 = tpu.sem_alloc : memref<!tpu.dma_semaphore, #tpu.memory_space<semaphore_mem>>
      %dma_start3A_184 = arith.constant 0 : i32
      %dma_start3A_185 = tpu.memref_slice %empty_ref3A[%dma_start3A_184] : memref<16xi32, #tpu.memory_space<vmem>> -> memref<1xi32, #tpu.memory_space<vmem>>
      %dma_start3A_186 = arith.constant 0 : i32
      %dma_start3A_187 = tpu.memref_slice %empty_ref3A[%dma_start3A_186] : memref<16xi32, #tpu.memory_space<vmem>> -> memref<1xi32, #tpu.memory_space<vmem>>
      tpu.enqueue_dma source(%arg5 : memref<1xi32, #tpu.memory_space<hbm>>) target(%dma_start3A_187 : memref<1xi32, #tpu.memory_space<vmem>>) target_semaphore(%run_scoped3A_183 : memref<!tpu.dma_semaphore, #tpu.memory_space<semaphore_mem>>)
      %dma_wait3A = arith.constant 0 : i32
      %dma_wait3A_188 = tpu.memref_slice %empty_ref3A[%dma_wait3A] : memref<16xi32, #tpu.memory_space<vmem>> -> memref<1xi32, #tpu.memory_space<vmem>>
      %dma_wait3A_189 = arith.constant 0 : i32
      %dma_wait3A_190 = tpu.memref_slice %empty_ref3A[%dma_wait3A_189] : memref<16xi32, #tpu.memory_space<vmem>> -> memref<1xi32, #tpu.memory_space<vmem>>
      tpu.wait_dma2 semaphore(%run_scoped3A_183 : memref<!tpu.dma_semaphore, #tpu.memory_space<semaphore_mem>>) src(%arg5 : memref<1xi32, #tpu.memory_space<hbm>>) dst(%dma_wait3A_190 : memref<1xi32, #tpu.memory_space<vmem>>)
      tpu.yield
    }) : () -> ()
    %get3A = arith.constant 0 : index
    %get3A_0 = tpu.vector_load %empty_ref3A[%get3A] {strides = array<i32>} : memref<16xi32, #tpu.memory_space<vmem>>, vector<16xi32>,
    %slice3A = vector.extract_strided_slice %get3A_0 {offsets = [0], sizes = [1], strides = [1]} : vector<16xi32> to vector<1xi32>
    %squeeze3A = vector.extract %slice3A[0] : i32 from vector<1xi32>
    %mul3A = arith.constant 2 : i32
    %mul3A_1 = arith.muli %arg1, %mul3A : i32
    %add3A = arith.addi %mul3A_1, %arg0 : i32
    %mul3A_2 = arith.constant 128 : i32
    %mul3A_3 = arith.muli %add3A, %mul3A_2 : i32
    "tpu.region"() ({
      %run_scoped3A_183 = tpu.sem_alloc : memref<!tpu.dma_semaphore, #tpu.memory_space<semaphore_mem>>
      %dma_start3A_184 = arith.constant 0 : i32
      %dma_start3A_185 = tpu.memref_slice %arg2[%dma_start3A_184, %mul3A_3] : memref<200x4096xi32, #tpu.memory_space<hbm>> -> memref<200x128xi32, #tpu.memory_space<hbm>>
      %dma_start3A_186 = arith.constant 0 : i32
      %dma_start3A_187 = tpu.memref_slice %arg2[%dma_start3A_186, %mul3A_3] : memref<200x4096xi32, #tpu.memory_space<hbm>> -> memref<200x128xi32, #tpu.memory_space<hbm>>
      tpu.enqueue_dma source(%dma_start3A_187 : memref<200x128xi32, #tpu.memory_space<hbm>>) target(%arg7 : memref<200x128xi32, #tpu.memory_space<vmem>>) target_semaphore(%run_scoped3A_183 : memref<!tpu.dma_semaphore, #tpu.memory_space<semaphore_mem>>)
      %dma_wait3A = arith.constant 0 : i32
      %dma_wait3A_188 = tpu.memref_slice %arg2[%dma_wait3A, %mul3A_3] : memref<200x4096xi32, #tpu.memory_space<hbm>> -> memref<200x128xi32, #tpu.memory_space<hbm>>
      %dma_wait3A_189 = arith.constant 0 : i32
      %dma_wait3A_190 = tpu.memref_slice %arg2[%dma_wait3A_189, %mul3A_3] : memref<200x4096xi32, #tpu.memory_space<hbm>> -> memref<200x128xi32, #tpu.memory_space<hbm>>
      tpu.wait_dma2 semaphore(%run_scoped3A_183 : memref<!tpu.dma_semaphore, #tpu.memory_space<semaphore_mem>>) src(%dma_wait3A_190 : memref<200x128xi32, #tpu.memory_space<hbm>>) dst(%arg7 : memref<200x128xi32, #tpu.memory_space<vmem>>)
      tpu.yield
    }) : () -> ()
    "tpu.region"() ({
      %run_scoped3A_183 = tpu.sem_alloc : memref<!tpu.dma_semaphore, #tpu.memory_space<semaphore_mem>>
      tpu.enqueue_dma source(%arg4 : memref<2x16xf32, #tpu.memory_space<hbm>>) target(%arg11 : memref<2x16xf32, #tpu.memory_space<vmem>>) target_semaphore(%run_scoped3A_183 : memref<!tpu.dma_semaphore, #tpu.memory_space<semaphore_mem>>)
      tpu.wait_dma2 semaphore(%run_scoped3A_183 : memref<!tpu.dma_semaphore, #tpu.memory_space<semaphore_mem>>) src(%arg4 : memref<2x16xf32, #tpu.memory_space<hbm>>) dst(%arg11 : memref<2x16xf32, #tpu.memory_space<vmem>>)
      tpu.yield
    }) : () -> ()
    %dma_start3A = arith.constant 0 : i32
    %dma_start3A_4 = arith.constant 0 : i32
    %dma_start3A_5 = arith.constant 0 : i32
    %dma_start3A_6 = tpu.memref_slice %arg8[%dma_start3A_4, %dma_start3A_5] : memref<4x128xf32, #tpu.memory_space<vmem>> -> memref<1x128xf32, #tpu.memory_space<vmem>>
    %dma_start3A_7 = tpu.memref_squeeze %dma_start3A_6 : memref<1x128xf32, #tpu.memory_space<vmem>> -> memref<128xf32, #tpu.memory_space<vmem>>
    %dma_start3A_8 = arith.constant 0 : i32
    %dma_start3A_9 = tpu.memref_slice %arg7[%dma_start3A, %dma_start3A_8] : memref<200x128xi32, #tpu.memory_space<vmem>> -> memref<1x128xi32, #tpu.memory_space<vmem>>
    %dma_start3A_10 = tpu.memref_squeeze %dma_start3A_9 : memref<1x128xi32, #tpu.memory_space<vmem>> -> memref<128xi32, #tpu.memory_space<vmem>>
    %dma_start3A_11 = arith.constant 0 : i32
    %dma_start3A_12 = tpu.memref_slice %arg3[%dma_start3A_11] : memref<1003520xf32, #tpu.memory_space<hbm>> -> memref<1003520xf32, #tpu.memory_space<hbm>>
    tpu.enqueue_indirect_dma source(%dma_start3A_12 : memref<1003520xf32, #tpu.memory_space<hbm>>) target(%dma_start3A_7 : memref<128xf32, #tpu.memory_space<vmem>>) offsets(%dma_start3A_10 : memref<128xi32, #tpu.memory_space<vmem>>) semaphore(%arg12 : memref<!tpu.dma_semaphore, #tpu.memory_space<semaphore_mem>>)
    %dma_start3A_13 = arith.constant 1 : i32
    %dma_start3A_14 = arith.constant 1 : i32
    %dma_start3A_15 = arith.constant 0 : i32
    %dma_start3A_16 = tpu.memref_slice %arg8[%dma_start3A_14, %dma_start3A_15] : memref<4x128xf32, #tpu.memory_space<vmem>> -> memref<1x128xf32, #tpu.memory_space<vmem>>
    %dma_start3A_17 = tpu.memref_squeeze %dma_start3A_16 : memref<1x128xf32, #tpu.memory_space<vmem>> -> memref<128xf32, #tpu.memory_space<vmem>>
    %dma_start3A_18 = arith.constant 0 : i32
    %dma_start3A_19 = tpu.memref_slice %arg7[%dma_start3A_13, %dma_start3A_18] : memref<200x128xi32, #tpu.memory_space<vmem>> -> memref<1x128xi32, #tpu.memory_space<vmem>>
    %dma_start3A_20 = tpu.memref_squeeze %dma_start3A_19 : memref<1x128xi32, #tpu.memory_space<vmem>> -> memref<128xi32, #tpu.memory_space<vmem>>
    %dma_start3A_21 = arith.constant 0 : i32
    %dma_start3A_22 = tpu.memref_slice %arg3[%dma_start3A_21] : memref<1003520xf32, #tpu.memory_space<hbm>> -> memref<1003520xf32, #tpu.memory_space<hbm>>
    tpu.enqueue_indirect_dma source(%dma_start3A_22 : memref<1003520xf32, #tpu.memory_space<hbm>>) target(%dma_start3A_17 : memref<128xf32, #tpu.memory_space<vmem>>) offsets(%dma_start3A_20 : memref<128xi32, #tpu.memory_space<vmem>>) semaphore(%arg13 : memref<!tpu.dma_semaphore, #tpu.memory_space<semaphore_mem>>)
    %dma_start3A_23 = arith.constant 2 : i32
    %dma_start3A_24 = arith.constant 2 : i32
    %dma_start3A_25 = arith.constant 0 : i32
    %dma_start3A_26 = tpu.memref_slice %arg8[%dma_start3A_24, %dma_start3A_25] : memref<4x128xf32, #tpu.memory_space<vmem>> -> memref<1x128xf32, #tpu.memory_space<vmem>>
    %dma_start3A_27 = tpu.memref_squeeze %dma_start3A_26 : memref<1x128xf32, #tpu.memory_space<vmem>> -> memref<128xf32, #tpu.memory_space<vmem>>
    %dma_start3A_28 = arith.constant 0 : i32
    %dma_start3A_29 = tpu.memref_slice %arg7[%dma_start3A_23, %dma_start3A_28] : memref<200x128xi32, #tpu.memory_space<vmem>> -> memref<1x128xi32, #tpu.memory_space<vmem>>
    %dma_start3A_30 = tpu.memref_squeeze %dma_start3A_29 : memref<1x128xi32, #tpu.memory_space<vmem>> -> memref<128xi32, #tpu.memory_space<vmem>>
    %dma_start3A_31 = arith.constant 0 : i32
    %dma_start3A_32 = tpu.memref_slice %arg3[%dma_start3A_31] : memref<1003520xf32, #tpu.memory_space<hbm>> -> memref<1003520xf32, #tpu.memory_space<hbm>>
    tpu.enqueue_indirect_dma source(%dma_start3A_32 : memref<1003520xf32, #tpu.memory_space<hbm>>) target(%dma_start3A_27 : memref<128xf32, #tpu.memory_space<vmem>>) offsets(%dma_start3A_30 : memref<128xi32, #tpu.memory_space<vmem>>) semaphore(%arg14 : memref<!tpu.dma_semaphore, #tpu.memory_space<semaphore_mem>>)
    %dma_start3A_33 = arith.constant 3 : i32
    %dma_start3A_34 = arith.constant 3 : i32
    %dma_start3A_35 = arith.constant 0 : i32
    %dma_start3A_36 = tpu.memref_slice %arg8[%dma_start3A_34, %dma_start3A_35] : memref<4x128xf32, #tpu.memory_space<vmem>> -> memref<1x128xf32, #tpu.memory_space<vmem>>
    %dma_start3A_37 = tpu.memref_squeeze %dma_start3A_36 : memref<1x128xf32, #tpu.memory_space<vmem>> -> memref<128xf32, #tpu.memory_space<vmem>>
    %dma_start3A_38 = arith.constant 0 : i32
    %dma_start3A_39 = tpu.memref_slice %arg7[%dma_start3A_33, %dma_start3A_38] : memref<200x128xi32, #tpu.memory_space<vmem>> -> memref<1x128xi32, #tpu.memory_space<vmem>>
    %dma_start3A_40 = tpu.memref_squeeze %dma_start3A_39 : memref<1x128xi32, #tpu.memory_space<vmem>> -> memref<128xi32, #tpu.memory_space<vmem>>
    %dma_start3A_41 = arith.constant 0 : i32
    %dma_start3A_42 = tpu.memref_slice %arg3[%dma_start3A_41] : memref<1003520xf32, #tpu.memory_space<hbm>> -> memref<1003520xf32, #tpu.memory_space<hbm>>
    tpu.enqueue_indirect_dma source(%dma_start3A_42 : memref<1003520xf32, #tpu.memory_space<hbm>>) target(%dma_start3A_37 : memref<128xf32, #tpu.memory_space<vmem>>) offsets(%dma_start3A_40 : memref<128xi32, #tpu.memory_space<vmem>>) semaphore(%arg15 : memref<!tpu.dma_semaphore, #tpu.memory_space<semaphore_mem>>)
    %broadcast_in_dim3A = arith.constant 0.000000e+00 : f32
    %broadcast_in_dim3A_43 = vector.broadcast %broadcast_in_dim3A : f32 to vector<16xf32>
    %broadcast_in_dim3A_44 = arith.constant 0.000000e+00 : f32
    %broadcast_in_dim3A_45 = vector.broadcast %broadcast_in_dim3A_44 : f32 to vector<16xf32>
    %broadcast_in_dim3A_46 = arith.constant 0.000000e+00 : f32
    %broadcast_in_dim3A_47 = vector.broadcast %broadcast_in_dim3A_46 : f32 to vector<16xf32>
    %broadcast_in_dim3A_48 = arith.constant 0.000000e+00 : f32
    %broadcast_in_dim3A_49 = vector.broadcast %broadcast_in_dim3A_48 : f32 to vector<16xf32>
    %broadcast_in_dim3A_50 = arith.constant 0.000000e+00 : f32
    %broadcast_in_dim3A_51 = vector.broadcast %broadcast_in_dim3A_50 : f32 to vector<16xf32>
    %broadcast_in_dim3A_52 = arith.constant 0.000000e+00 : f32
    %broadcast_in_dim3A_53 = vector.broadcast %broadcast_in_dim3A_52 : f32 to vector<16xf32>
    %broadcast_in_dim3A_54 = arith.constant 0.000000e+00 : f32
    %broadcast_in_dim3A_55 = vector.broadcast %broadcast_in_dim3A_54 : f32 to vector<16xf32>
    %broadcast_in_dim3A_56 = arith.constant 0.000000e+00 : f32
    %broadcast_in_dim3A_57 = vector.broadcast %broadcast_in_dim3A_56 : f32 to vector<16xf32>
    %broadcast_in_dim3A_58 = arith.constant 0.000000e+00 : f32
    %broadcast_in_dim3A_59 = vector.broadcast %broadcast_in_dim3A_58 : f32 to vector<16xf32>
    %broadcast_in_dim3A_60 = arith.constant 0.000000e+00 : f32
    %broadcast_in_dim3A_61 = vector.broadcast %broadcast_in_dim3A_60 : f32 to vector<16xf32>
    %broadcast_in_dim3A_62 = arith.constant 0.000000e+00 : f32
    %broadcast_in_dim3A_63 = vector.broadcast %broadcast_in_dim3A_62 : f32 to vector<16xf32>
    %broadcast_in_dim3A_64 = arith.constant 0.000000e+00 : f32
    %broadcast_in_dim3A_65 = vector.broadcast %broadcast_in_dim3A_64 : f32 to vector<16xf32>
    %broadcast_in_dim3A_66 = arith.constant 0.000000e+00 : f32
    %broadcast_in_dim3A_67 = vector.broadcast %broadcast_in_dim3A_66 : f32 to vector<16xf32>
    %broadcast_in_dim3A_68 = arith.constant 0.000000e+00 : f32
    %broadcast_in_dim3A_69 = vector.broadcast %broadcast_in_dim3A_68 : f32 to vector<16xf32>
    %broadcast_in_dim3A_70 = arith.constant 0.000000e+00 : f32
    %broadcast_in_dim3A_71 = vector.broadcast %broadcast_in_dim3A_70 : f32 to vector<16xf32>
    %broadcast_in_dim3A_72 = arith.constant 0.000000e+00 : f32
    %broadcast_in_dim3A_73 = vector.broadcast %broadcast_in_dim3A_72 : f32 to vector<16xf32>
    %scan3A = arith.constant 0 : i32
    %scan3A_74 = arith.constant 50 : i32
    %scan3A_75 = arith.addi %scan3A, %scan3A_74 : i32
    %scan3A_76 = arith.constant 1 : i32
    %scan3A_77:16 = scf.for %scan3A_183 = %scan3A to %scan3A_75 step %scan3A_76 iter_args(%scan3A_184 = %broadcast_in_dim3A_43, %scan3A_185 = %broadcast_in_dim3A_45, %scan3A_186 = %broadcast_in_dim3A_47, %scan3A_187 = %broadcast_in_dim3A_49, %scan3A_188 = %broadcast_in_dim3A_51, %scan3A_189 = %broadcast_in_dim3A_53, %scan3A_190 = %broadcast_in_dim3A_55, %scan3A_191 = %broadcast_in_dim3A_57, %scan3A_192 = %broadcast_in_dim3A_59, %scan3A_193 = %broadcast_in_dim3A_61, %scan3A_194 = %broadcast_in_dim3A_63, %scan3A_195 = %broadcast_in_dim3A_65, %scan3A_196 = %broadcast_in_dim3A_67, %scan3A_197 = %broadcast_in_dim3A_69, %scan3A_198 = %broadcast_in_dim3A_71, %scan3A_199 = %broadcast_in_dim3A_73) -> (vector<16xf32>, vector<16xf32>, vector<16xf32>, vector<16xf32>, vector<16xf32>, vector<16xf32>, vector<16xf32>, vector<16xf32>, vector<16xf32>, vector<16xf32>, vector<16xf32>, vector<16xf32>, vector<16xf32>, vector<16xf32>, vector<16xf32>, vector<16xf32>)  : i32 {
      %mul3A_200 = arith.constant 4 : i32
      %mul3A_201 = arith.muli %mul3A_200, %scan3A_183 : i32
      %add3A_202 = arith.constant 0 : i32
      %add3A_203 = arith.addi %mul3A_201, %add3A_202 : i32
      %dma_wait3A = arith.constant 0 : i32
      %dma_wait3A_204 = arith.constant 0 : i32
      %dma_wait3A_205 = tpu.memref_slice %arg8[%dma_wait3A, %dma_wait3A_204] : memref<4x128xf32, #tpu.memory_space<vmem>> -> memref<1x128xf32, #tpu.memory_space<vmem>>
      %dma_wait3A_206 = tpu.memref_squeeze %dma_wait3A_205 : memref<1x128xf32, #tpu.memory_space<vmem>> -> memref<128xf32, #tpu.memory_space<vmem>>
      %dma_wait3A_207 = arith.constant 0 : i32
      %dma_wait3A_208 = tpu.memref_slice %arg7[%add3A_203, %dma_wait3A_207] : memref<200x128xi32, #tpu.memory_space<vmem>> -> memref<1x128xi32, #tpu.memory_space<vmem>>
      %dma_wait3A_209 = tpu.memref_squeeze %dma_wait3A_208 : memref<1x128xi32, #tpu.memory_space<vmem>> -> memref<128xi32, #tpu.memory_space<vmem>>
      %dma_wait3A_210 = arith.constant 0 : i32
      %dma_wait3A_211 = tpu.memref_slice %arg3[%dma_wait3A_210] : memref<1003520xf32, #tpu.memory_space<hbm>> -> memref<1003520xf32, #tpu.memory_space<hbm>>
      tpu.wait_indirect_dma semaphore(%arg12 : memref<!tpu.dma_semaphore, #tpu.memory_space<semaphore_mem>>) src(%dma_wait3A_211 : memref<1003520xf32, #tpu.memory_space<hbm>>) dst(%dma_wait3A_206 : memref<128xf32, #tpu.memory_space<vmem>>)
      %get3A_212 = arith.constant 0 : i32
      %get3A_213 = arith.index_cast %get3A_212 : i32 to index
      %get3A_214 = arith.constant 0 : index
      %get3A_215 = tpu.vector_load %arg8[%get3A_213, %get3A_214] {strides = array<i32>} : memref<4x128xf32, #tpu.memory_space<vmem>>, vector<16xf32>,
      %bitcast3A = vector.bitcast %get3A_215 : vector<16xf32> to vector<16xi32>
      %and3A = vector.broadcast %squeeze3A : i32 to vector<16xi32>
      %and3A_216 = arith.andi %bitcast3A, %and3A : vector<16xi32>
      %bitcast3A_217 = vector.bitcast %and3A_216 : vector<16xi32> to vector<16xf32>
      %shift_left3A = arith.constant 16 : i32
      %shift_left3A_218 = vector.broadcast %shift_left3A : i32 to vector<16xi32>
      %shift_left3A_219 = arith.shli %bitcast3A, %shift_left3A_218 : vector<16xi32>
      %bitcast3A_220 = vector.bitcast %shift_left3A_219 : vector<16xi32> to vector<16xf32>
      %add3A_221 = arith.addf %scan3A_184, %bitcast3A_217 : vector<16xf32>
      %add3A_222 = arith.addf %scan3A_192, %bitcast3A_220 : vector<16xf32>
      %get3A_223 = arith.constant 0 : i32
      %get3A_224 = arith.index_cast %get3A_223 : i32 to index
      %get3A_225 = arith.constant 16 : index
      %get3A_226 = tpu.vector_load %arg8[%get3A_224, %get3A_225] {strides = array<i32>} : memref<4x128xf32, #tpu.memory_space<vmem>>, vector<16xf32>,
      %bitcast3A_227 = vector.bitcast %get3A_226 : vector<16xf32> to vector<16xi32>
      %and3A_228 = vector.broadcast %squeeze3A : i32 to vector<16xi32>
      %and3A_229 = arith.andi %bitcast3A_227, %and3A_228 : vector<16xi32>
      %bitcast3A_230 = vector.bitcast %and3A_229 : vector<16xi32> to vector<16xf32>
      %shift_left3A_231 = arith.constant 16 : i32
      %shift_left3A_232 = vector.broadcast %shift_left3A_231 : i32 to vector<16xi32>
      %shift_left3A_233 = arith.shli %bitcast3A_227, %shift_left3A_232 : vector<16xi32>
      %bitcast3A_234 = vector.bitcast %shift_left3A_233 : vector<16xi32> to vector<16xf32>
      %add3A_235 = arith.addf %scan3A_185, %bitcast3A_230 : vector<16xf32>
      %add3A_236 = arith.addf %scan3A_193, %bitcast3A_234 : vector<16xf32>
      %get3A_237 = arith.constant 0 : i32
      %get3A_238 = arith.index_cast %get3A_237 : i32 to index
      %get3A_239 = arith.constant 32 : index
      %get3A_240 = tpu.vector_load %arg8[%get3A_238, %get3A_239] {strides = array<i32>} : memref<4x128xf32, #tpu.memory_space<vmem>>, vector<16xf32>,
      %bitcast3A_241 = vector.bitcast %get3A_240 : vector<16xf32> to vector<16xi32>
      %and3A_242 = vector.broadcast %squeeze3A : i32 to vector<16xi32>
      %and3A_243 = arith.andi %bitcast3A_241, %and3A_242 : vector<16xi32>
      %bitcast3A_244 = vector.bitcast %and3A_243 : vector<16xi32> to vector<16xf32>
      %shift_left3A_245 = arith.constant 16 : i32
      %shift_left3A_246 = vector.broadcast %shift_left3A_245 : i32 to vector<16xi32>
      %shift_left3A_247 = arith.shli %bitcast3A_241, %shift_left3A_246 : vector<16xi32>
      %bitcast3A_248 = vector.bitcast %shift_left3A_247 : vector<16xi32> to vector<16xf32>
      %add3A_249 = arith.addf %scan3A_186, %bitcast3A_244 : vector<16xf32>
      %add3A_250 = arith.addf %scan3A_194, %bitcast3A_248 : vector<16xf32>
      %get3A_251 = arith.constant 0 : i32
      %get3A_252 = arith.index_cast %get3A_251 : i32 to index
      %get3A_253 = arith.constant 48 : index
      %get3A_254 = tpu.vector_load %arg8[%get3A_252, %get3A_253] {strides = array<i32>} : memref<4x128xf32, #tpu.memory_space<vmem>>, vector<16xf32>,
      %bitcast3A_255 = vector.bitcast %get3A_254 : vector<16xf32> to vector<16xi32>
      %and3A_256 = vector.broadcast %squeeze3A : i32 to vector<16xi32>
      %and3A_257 = arith.andi %bitcast3A_255, %and3A_256 : vector<16xi32>
      %bitcast3A_258 = vector.bitcast %and3A_257 : vector<16xi32> to vector<16xf32>
      %shift_left3A_259 = arith.constant 16 : i32
      %shift_left3A_260 = vector.broadcast %shift_left3A_259 : i32 to vector<16xi32>
      %shift_left3A_261 = arith.shli %bitcast3A_255, %shift_left3A_260 : vector<16xi32>
      %bitcast3A_262 = vector.bitcast %shift_left3A_261 : vector<16xi32> to vector<16xf32>
      %add3A_263 = arith.addf %scan3A_187, %bitcast3A_258 : vector<16xf32>
      %add3A_264 = arith.addf %scan3A_195, %bitcast3A_262 : vector<16xf32>
      %get3A_265 = arith.constant 0 : i32
      %get3A_266 = arith.index_cast %get3A_265 : i32 to index
      %get3A_267 = arith.constant 64 : index
      %get3A_268 = tpu.vector_load %arg8[%get3A_266, %get3A_267] {strides = array<i32>} : memref<4x128xf32, #tpu.memory_space<vmem>>, vector<16xf32>,
      %bitcast3A_269 = vector.bitcast %get3A_268 : vector<16xf32> to vector<16xi32>
      %and3A_270 = vector.broadcast %squeeze3A : i32 to vector<16xi32>
      %and3A_271 = arith.andi %bitcast3A_269, %and3A_270 : vector<16xi32>
      %bitcast3A_272 = vector.bitcast %and3A_271 : vector<16xi32> to vector<16xf32>
      %shift_left3A_273 = arith.constant 16 : i32
      %shift_left3A_274 = vector.broadcast %shift_left3A_273 : i32 to vector<16xi32>
      %shift_left3A_275 = arith.shli %bitcast3A_269, %shift_left3A_274 : vector<16xi32>
      %bitcast3A_276 = vector.bitcast %shift_left3A_275 : vector<16xi32> to vector<16xf32>
      %add3A_277 = arith.addf %scan3A_188, %bitcast3A_272 : vector<16xf32>
      %add3A_278 = arith.addf %scan3A_196, %bitcast3A_276 : vector<16xf32>
      %get3A_279 = arith.constant 0 : i32
      %get3A_280 = arith.index_cast %get3A_279 : i32 to index
      %get3A_281 = arith.constant 80 : index
      %get3A_282 = tpu.vector_load %arg8[%get3A_280, %get3A_281] {strides = array<i32>} : memref<4x128xf32, #tpu.memory_space<vmem>>, vector<16xf32>,
      %bitcast3A_283 = vector.bitcast %get3A_282 : vector<16xf32> to vector<16xi32>
      %and3A_284 = vector.broadcast %squeeze3A : i32 to vector<16xi32>
      %and3A_285 = arith.andi %bitcast3A_283, %and3A_284 : vector<16xi32>
      %bitcast3A_286 = vector.bitcast %and3A_285 : vector<16xi32> to vector<16xf32>
      %shift_left3A_287 = arith.constant 16 : i32
      %shift_left3A_288 = vector.broadcast %shift_left3A_287 : i32 to vector<16xi32>
      %shift_left3A_289 = arith.shli %bitcast3A_283, %shift_left3A_288 : vector<16xi32>
      %bitcast3A_290 = vector.bitcast %shift_left3A_289 : vector<16xi32> to vector<16xf32>
      %add3A_291 = arith.addf %scan3A_189, %bitcast3A_286 : vector<16xf32>
      %add3A_292 = arith.addf %scan3A_197, %bitcast3A_290 : vector<16xf32>
      %get3A_293 = arith.constant 0 : i32
      %get3A_294 = arith.index_cast %get3A_293 : i32 to index
      %get3A_295 = arith.constant 96 : index
      %get3A_296 = tpu.vector_load %arg8[%get3A_294, %get3A_295] {strides = array<i32>} : memref<4x128xf32, #tpu.memory_space<vmem>>, vector<16xf32>,
      %bitcast3A_297 = vector.bitcast %get3A_296 : vector<16xf32> to vector<16xi32>
      %and3A_298 = vector.broadcast %squeeze3A : i32 to vector<16xi32>
      %and3A_299 = arith.andi %bitcast3A_297, %and3A_298 : vector<16xi32>
      %bitcast3A_300 = vector.bitcast %and3A_299 : vector<16xi32> to vector<16xf32>
      %shift_left3A_301 = arith.constant 16 : i32
      %shift_left3A_302 = vector.broadcast %shift_left3A_301 : i32 to vector<16xi32>
      %shift_left3A_303 = arith.shli %bitcast3A_297, %shift_left3A_302 : vector<16xi32>
      %bitcast3A_304 = vector.bitcast %shift_left3A_303 : vector<16xi32> to vector<16xf32>
      %add3A_305 = arith.addf %scan3A_190, %bitcast3A_300 : vector<16xf32>
      %add3A_306 = arith.addf %scan3A_198, %bitcast3A_304 : vector<16xf32>
      %get3A_307 = arith.constant 0 : i32
      %get3A_308 = arith.index_cast %get3A_307 : i32 to index
      %get3A_309 = arith.constant 112 : index
      %get3A_310 = tpu.vector_load %arg8[%get3A_308, %get3A_309] {strides = array<i32>} : memref<4x128xf32, #tpu.memory_space<vmem>>, vector<16xf32>,
      %bitcast3A_311 = vector.bitcast %get3A_310 : vector<16xf32> to vector<16xi32>
      %and3A_312 = vector.broadcast %squeeze3A : i32 to vector<16xi32>
      %and3A_313 = arith.andi %bitcast3A_311, %and3A_312 : vector<16xi32>
      %bitcast3A_314 = vector.bitcast %and3A_313 : vector<16xi32> to vector<16xf32>
      %shift_left3A_315 = arith.constant 16 : i32
      %shift_left3A_316 = vector.broadcast %shift_left3A_315 : i32 to vector<16xi32>
      %shift_left3A_317 = arith.shli %bitcast3A_311, %shift_left3A_316 : vector<16xi32>
      %bitcast3A_318 = vector.bitcast %shift_left3A_317 : vector<16xi32> to vector<16xf32>
      %add3A_319 = arith.addf %scan3A_191, %bitcast3A_314 : vector<16xf32>
      %add3A_320 = arith.addf %scan3A_199, %bitcast3A_318 : vector<16xf32>
      %add3A_321 = arith.constant 4 : i32
      %add3A_322 = arith.addi %add3A_203, %add3A_321 : i32
      %lt3A = arith.constant 200 : i32
      %lt3A_323 = arith.cmpi slt, %add3A_322, %lt3A : i32
      %convert_element_type3A = arith.extui %lt3A_323 : i1 to i32
      %cond3A = arith.constant 0 : i32
      %cond3A_324 = arith.cmpi ne, %convert_element_type3A, %cond3A : i32
      scf.if %cond3A_324 {
        %add3A_721 = arith.constant 4 : i32
        %add3A_722 = arith.addi %add3A_203, %add3A_721 : i32
        %dma_start3A_723 = arith.constant 0 : i32
        %dma_start3A_724 = arith.constant 0 : i32
        %dma_start3A_725 = tpu.memref_slice %arg8[%dma_start3A_723, %dma_start3A_724] : memref<4x128xf32, #tpu.memory_space<vmem>> -> memref<1x128xf32, #tpu.memory_space<vmem>>
        %dma_start3A_726 = tpu.memref_squeeze %dma_start3A_725 : memref<1x128xf32, #tpu.memory_space<vmem>> -> memref<128xf32, #tpu.memory_space<vmem>>
        %dma_start3A_727 = arith.constant 0 : i32
        %dma_start3A_728 = tpu.memref_slice %arg7[%add3A_722, %dma_start3A_727] : memref<200x128xi32, #tpu.memory_space<vmem>> -> memref<1x128xi32, #tpu.memory_space<vmem>>
        %dma_start3A_729 = tpu.memref_squeeze %dma_start3A_728 : memref<1x128xi32, #tpu.memory_space<vmem>> -> memref<128xi32, #tpu.memory_space<vmem>>
        %dma_start3A_730 = arith.constant 0 : i32
        %dma_start3A_731 = tpu.memref_slice %arg3[%dma_start3A_730] : memref<1003520xf32, #tpu.memory_space<hbm>> -> memref<1003520xf32, #tpu.memory_space<hbm>>
        tpu.enqueue_indirect_dma source(%dma_start3A_731 : memref<1003520xf32, #tpu.memory_space<hbm>>) target(%dma_start3A_726 : memref<128xf32, #tpu.memory_space<vmem>>) offsets(%dma_start3A_729 : memref<128xi32, #tpu.memory_space<vmem>>) semaphore(%arg12 : memref<!tpu.dma_semaphore, #tpu.memory_space<semaphore_mem>>)
      } else {
      }
      %mul3A_325 = arith.constant 4 : i32
      %mul3A_326 = arith.muli %mul3A_325, %scan3A_183 : i32
      %add3A_327 = arith.constant 1 : i32
      %add3A_328 = arith.addi %mul3A_326, %add3A_327 : i32
      %dma_wait3A_329 = arith.constant 1 : i32
      %dma_wait3A_330 = arith.constant 0 : i32
      %dma_wait3A_331 = tpu.memref_slice %arg8[%dma_wait3A_329, %dma_wait3A_330] : memref<4x128xf32, #tpu.memory_space<vmem>> -> memref<1x128xf32, #tpu.memory_space<vmem>>
      %dma_wait3A_332 = tpu.memref_squeeze %dma_wait3A_331 : memref<1x128xf32, #tpu.memory_space<vmem>> -> memref<128xf32, #tpu.memory_space<vmem>>
      %dma_wait3A_333 = arith.constant 0 : i32
      %dma_wait3A_334 = tpu.memref_slice %arg7[%add3A_328, %dma_wait3A_333] : memref<200x128xi32, #tpu.memory_space<vmem>> -> memref<1x128xi32, #tpu.memory_space<vmem>>
      %dma_wait3A_335 = tpu.memref_squeeze %dma_wait3A_334 : memref<1x128xi32, #tpu.memory_space<vmem>> -> memref<128xi32, #tpu.memory_space<vmem>>
      %dma_wait3A_336 = arith.constant 0 : i32
      %dma_wait3A_337 = tpu.memref_slice %arg3[%dma_wait3A_336] : memref<1003520xf32, #tpu.memory_space<hbm>> -> memref<1003520xf32, #tpu.memory_space<hbm>>
      tpu.wait_indirect_dma semaphore(%arg13 : memref<!tpu.dma_semaphore, #tpu.memory_space<semaphore_mem>>) src(%dma_wait3A_337 : memref<1003520xf32, #tpu.memory_space<hbm>>) dst(%dma_wait3A_332 : memref<128xf32, #tpu.memory_space<vmem>>)
      %get3A_338 = arith.constant 1 : i32
      %get3A_339 = arith.index_cast %get3A_338 : i32 to index
      %get3A_340 = arith.constant 0 : index
      %get3A_341 = tpu.vector_load %arg8[%get3A_339, %get3A_340] {strides = array<i32>} : memref<4x128xf32, #tpu.memory_space<vmem>>, vector<16xf32>,
      %bitcast3A_342 = vector.bitcast %get3A_341 : vector<16xf32> to vector<16xi32>
      %and3A_343 = vector.broadcast %squeeze3A : i32 to vector<16xi32>
      %and3A_344 = arith.andi %bitcast3A_342, %and3A_343 : vector<16xi32>
      %bitcast3A_345 = vector.bitcast %and3A_344 : vector<16xi32> to vector<16xf32>
      %shift_left3A_346 = arith.constant 16 : i32
      %shift_left3A_347 = vector.broadcast %shift_left3A_346 : i32 to vector<16xi32>
      %shift_left3A_348 = arith.shli %bitcast3A_342, %shift_left3A_347 : vector<16xi32>
      %bitcast3A_349 = vector.bitcast %shift_left3A_348 : vector<16xi32> to vector<16xf32>
      %add3A_350 = arith.addf %add3A_221, %bitcast3A_345 : vector<16xf32>
      %add3A_351 = arith.addf %add3A_222, %bitcast3A_349 : vector<16xf32>
      %get3A_352 = arith.constant 1 : i32
      %get3A_353 = arith.index_cast %get3A_352 : i32 to index
      %get3A_354 = arith.constant 16 : index
      %get3A_355 = tpu.vector_load %arg8[%get3A_353, %get3A_354] {strides = array<i32>} : memref<4x128xf32, #tpu.memory_space<vmem>>, vector<16xf32>,
      %bitcast3A_356 = vector.bitcast %get3A_355 : vector<16xf32> to vector<16xi32>
      %and3A_357 = vector.broadcast %squeeze3A : i32 to vector<16xi32>
      %and3A_358 = arith.andi %bitcast3A_356, %and3A_357 : vector<16xi32>
      %bitcast3A_359 = vector.bitcast %and3A_358 : vector<16xi32> to vector<16xf32>
      %shift_left3A_360 = arith.constant 16 : i32
      %shift_left3A_361 = vector.broadcast %shift_left3A_360 : i32 to vector<16xi32>
      %shift_left3A_362 = arith.shli %bitcast3A_356, %shift_left3A_361 : vector<16xi32>
      %bitcast3A_363 = vector.bitcast %shift_left3A_362 : vector<16xi32> to vector<16xf32>
      %add3A_364 = arith.addf %add3A_235, %bitcast3A_359 : vector<16xf32>
      %add3A_365 = arith.addf %add3A_236, %bitcast3A_363 : vector<16xf32>
      %get3A_366 = arith.constant 1 : i32
      %get3A_367 = arith.index_cast %get3A_366 : i32 to index
      %get3A_368 = arith.constant 32 : index
      %get3A_369 = tpu.vector_load %arg8[%get3A_367, %get3A_368] {strides = array<i32>} : memref<4x128xf32, #tpu.memory_space<vmem>>, vector<16xf32>,
      %bitcast3A_370 = vector.bitcast %get3A_369 : vector<16xf32> to vector<16xi32>
      %and3A_371 = vector.broadcast %squeeze3A : i32 to vector<16xi32>
      %and3A_372 = arith.andi %bitcast3A_370, %and3A_371 : vector<16xi32>
      %bitcast3A_373 = vector.bitcast %and3A_372 : vector<16xi32> to vector<16xf32>
      %shift_left3A_374 = arith.constant 16 : i32
      %shift_left3A_375 = vector.broadcast %shift_left3A_374 : i32 to vector<16xi32>
      %shift_left3A_376 = arith.shli %bitcast3A_370, %shift_left3A_375 : vector<16xi32>
      %bitcast3A_377 = vector.bitcast %shift_left3A_376 : vector<16xi32> to vector<16xf32>
      %add3A_378 = arith.addf %add3A_249, %bitcast3A_373 : vector<16xf32>
      %add3A_379 = arith.addf %add3A_250, %bitcast3A_377 : vector<16xf32>
      %get3A_380 = arith.constant 1 : i32
      %get3A_381 = arith.index_cast %get3A_380 : i32 to index
      %get3A_382 = arith.constant 48 : index
      %get3A_383 = tpu.vector_load %arg8[%get3A_381, %get3A_382] {strides = array<i32>} : memref<4x128xf32, #tpu.memory_space<vmem>>, vector<16xf32>,
      %bitcast3A_384 = vector.bitcast %get3A_383 : vector<16xf32> to vector<16xi32>
      %and3A_385 = vector.broadcast %squeeze3A : i32 to vector<16xi32>
      %and3A_386 = arith.andi %bitcast3A_384, %and3A_385 : vector<16xi32>
      %bitcast3A_387 = vector.bitcast %and3A_386 : vector<16xi32> to vector<16xf32>
      %shift_left3A_388 = arith.constant 16 : i32
      %shift_left3A_389 = vector.broadcast %shift_left3A_388 : i32 to vector<16xi32>
      %shift_left3A_390 = arith.shli %bitcast3A_384, %shift_left3A_389 : vector<16xi32>
      %bitcast3A_391 = vector.bitcast %shift_left3A_390 : vector<16xi32> to vector<16xf32>
      %add3A_392 = arith.addf %add3A_263, %bitcast3A_387 : vector<16xf32>
      %add3A_393 = arith.addf %add3A_264, %bitcast3A_391 : vector<16xf32>
      %get3A_394 = arith.constant 1 : i32
      %get3A_395 = arith.index_cast %get3A_394 : i32 to index
      %get3A_396 = arith.constant 64 : index
      %get3A_397 = tpu.vector_load %arg8[%get3A_395, %get3A_396] {strides = array<i32>} : memref<4x128xf32, #tpu.memory_space<vmem>>, vector<16xf32>,
      %bitcast3A_398 = vector.bitcast %get3A_397 : vector<16xf32> to vector<16xi32>
      %and3A_399 = vector.broadcast %squeeze3A : i32 to vector<16xi32>
      %and3A_400 = arith.andi %bitcast3A_398, %and3A_399 : vector<16xi32>
      %bitcast3A_401 = vector.bitcast %and3A_400 : vector<16xi32> to vector<16xf32>
      %shift_left3A_402 = arith.constant 16 : i32
      %shift_left3A_403 = vector.broadcast %shift_left3A_402 : i32 to vector<16xi32>
      %shift_left3A_404 = arith.shli %bitcast3A_398, %shift_left3A_403 : vector<16xi32>
      %bitcast3A_405 = vector.bitcast %shift_left3A_404 : vector<16xi32> to vector<16xf32>
      %add3A_406 = arith.addf %add3A_277, %bitcast3A_401 : vector<16xf32>
      %add3A_407 = arith.addf %add3A_278, %bitcast3A_405 : vector<16xf32>
      %get3A_408 = arith.constant 1 : i32
      %get3A_409 = arith.index_cast %get3A_408 : i32 to index
      %get3A_410 = arith.constant 80 : index
      %get3A_411 = tpu.vector_load %arg8[%get3A_409, %get3A_410] {strides = array<i32>} : memref<4x128xf32, #tpu.memory_space<vmem>>, vector<16xf32>,
      %bitcast3A_412 = vector.bitcast %get3A_411 : vector<16xf32> to vector<16xi32>
      %and3A_413 = vector.broadcast %squeeze3A : i32 to vector<16xi32>
      %and3A_414 = arith.andi %bitcast3A_412, %and3A_413 : vector<16xi32>
      %bitcast3A_415 = vector.bitcast %and3A_414 : vector<16xi32> to vector<16xf32>
      %shift_left3A_416 = arith.constant 16 : i32
      %shift_left3A_417 = vector.broadcast %shift_left3A_416 : i32 to vector<16xi32>
      %shift_left3A_418 = arith.shli %bitcast3A_412, %shift_left3A_417 : vector<16xi32>
      %bitcast3A_419 = vector.bitcast %shift_left3A_418 : vector<16xi32> to vector<16xf32>
      %add3A_420 = arith.addf %add3A_291, %bitcast3A_415 : vector<16xf32>
      %add3A_421 = arith.addf %add3A_292, %bitcast3A_419 : vector<16xf32>
      %get3A_422 = arith.constant 1 : i32
      %get3A_423 = arith.index_cast %get3A_422 : i32 to index
      %get3A_424 = arith.constant 96 : index
      %get3A_425 = tpu.vector_load %arg8[%get3A_423, %get3A_424] {strides = array<i32>} : memref<4x128xf32, #tpu.memory_space<vmem>>, vector<16xf32>,
      %bitcast3A_426 = vector.bitcast %get3A_425 : vector<16xf32> to vector<16xi32>
      %and3A_427 = vector.broadcast %squeeze3A : i32 to vector<16xi32>
      %and3A_428 = arith.andi %bitcast3A_426, %and3A_427 : vector<16xi32>
      %bitcast3A_429 = vector.bitcast %and3A_428 : vector<16xi32> to vector<16xf32>
      %shift_left3A_430 = arith.constant 16 : i32
      %shift_left3A_431 = vector.broadcast %shift_left3A_430 : i32 to vector<16xi32>
      %shift_left3A_432 = arith.shli %bitcast3A_426, %shift_left3A_431 : vector<16xi32>
      %bitcast3A_433 = vector.bitcast %shift_left3A_432 : vector<16xi32> to vector<16xf32>
      %add3A_434 = arith.addf %add3A_305, %bitcast3A_429 : vector<16xf32>
      %add3A_435 = arith.addf %add3A_306, %bitcast3A_433 : vector<16xf32>
      %get3A_436 = arith.constant 1 : i32
      %get3A_437 = arith.index_cast %get3A_436 : i32 to index
      %get3A_438 = arith.constant 112 : index
      %get3A_439 = tpu.vector_load %arg8[%get3A_437, %get3A_438] {strides = array<i32>} : memref<4x128xf32, #tpu.memory_space<vmem>>, vector<16xf32>,
      %bitcast3A_440 = vector.bitcast %get3A_439 : vector<16xf32> to vector<16xi32>
      %and3A_441 = vector.broadcast %squeeze3A : i32 to vector<16xi32>
      %and3A_442 = arith.andi %bitcast3A_440, %and3A_441 : vector<16xi32>
      %bitcast3A_443 = vector.bitcast %and3A_442 : vector<16xi32> to vector<16xf32>
      %shift_left3A_444 = arith.constant 16 : i32
      %shift_left3A_445 = vector.broadcast %shift_left3A_444 : i32 to vector<16xi32>
      %shift_left3A_446 = arith.shli %bitcast3A_440, %shift_left3A_445 : vector<16xi32>
      %bitcast3A_447 = vector.bitcast %shift_left3A_446 : vector<16xi32> to vector<16xf32>
      %add3A_448 = arith.addf %add3A_319, %bitcast3A_443 : vector<16xf32>
      %add3A_449 = arith.addf %add3A_320, %bitcast3A_447 : vector<16xf32>
      %add3A_450 = arith.constant 4 : i32
      %add3A_451 = arith.addi %add3A_328, %add3A_450 : i32
      %lt3A_452 = arith.constant 200 : i32
      %lt3A_453 = arith.cmpi slt, %add3A_451, %lt3A_452 : i32
      %convert_element_type3A_454 = arith.extui %lt3A_453 : i1 to i32
      %cond3A_455 = arith.constant 0 : i32
      %cond3A_456 = arith.cmpi ne, %convert_element_type3A_454, %cond3A_455 : i32
      scf.if %cond3A_456 {
        %add3A_721 = arith.constant 4 : i32
        %add3A_722 = arith.addi %add3A_328, %add3A_721 : i32
        %dma_start3A_723 = arith.constant 1 : i32
        %dma_start3A_724 = arith.constant 0 : i32
        %dma_start3A_725 = tpu.memref_slice %arg8[%dma_start3A_723, %dma_start3A_724] : memref<4x128xf32, #tpu.memory_space<vmem>> -> memref<1x128xf32, #tpu.memory_space<vmem>>
        %dma_start3A_726 = tpu.memref_squeeze %dma_start3A_725 : memref<1x128xf32, #tpu.memory_space<vmem>> -> memref<128xf32, #tpu.memory_space<vmem>>
        %dma_start3A_727 = arith.constant 0 : i32
        %dma_start3A_728 = tpu.memref_slice %arg7[%add3A_722, %dma_start3A_727] : memref<200x128xi32, #tpu.memory_space<vmem>> -> memref<1x128xi32, #tpu.memory_space<vmem>>
        %dma_start3A_729 = tpu.memref_squeeze %dma_start3A_728 : memref<1x128xi32, #tpu.memory_space<vmem>> -> memref<128xi32, #tpu.memory_space<vmem>>
        %dma_start3A_730 = arith.constant 0 : i32
        %dma_start3A_731 = tpu.memref_slice %arg3[%dma_start3A_730] : memref<1003520xf32, #tpu.memory_space<hbm>> -> memref<1003520xf32, #tpu.memory_space<hbm>>
        tpu.enqueue_indirect_dma source(%dma_start3A_731 : memref<1003520xf32, #tpu.memory_space<hbm>>) target(%dma_start3A_726 : memref<128xf32, #tpu.memory_space<vmem>>) offsets(%dma_start3A_729 : memref<128xi32, #tpu.memory_space<vmem>>) semaphore(%arg13 : memref<!tpu.dma_semaphore, #tpu.memory_space<semaphore_mem>>)
      } else {
      }
      %mul3A_457 = arith.constant 4 : i32
      %mul3A_458 = arith.muli %mul3A_457, %scan3A_183 : i32
      %add3A_459 = arith.constant 2 : i32
      %add3A_460 = arith.addi %mul3A_458, %add3A_459 : i32
      %dma_wait3A_461 = arith.constant 2 : i32
      %dma_wait3A_462 = arith.constant 0 : i32
      %dma_wait3A_463 = tpu.memref_slice %arg8[%dma_wait3A_461, %dma_wait3A_462] : memref<4x128xf32, #tpu.memory_space<vmem>> -> memref<1x128xf32, #tpu.memory_space<vmem>>
      %dma_wait3A_464 = tpu.memref_squeeze %dma_wait3A_463 : memref<1x128xf32, #tpu.memory_space<vmem>> -> memref<128xf32, #tpu.memory_space<vmem>>
      %dma_wait3A_465 = arith.constant 0 : i32
      %dma_wait3A_466 = tpu.memref_slice %arg7[%add3A_460, %dma_wait3A_465] : memref<200x128xi32, #tpu.memory_space<vmem>> -> memref<1x128xi32, #tpu.memory_space<vmem>>
      %dma_wait3A_467 = tpu.memref_squeeze %dma_wait3A_466 : memref<1x128xi32, #tpu.memory_space<vmem>> -> memref<128xi32, #tpu.memory_space<vmem>>
      %dma_wait3A_468 = arith.constant 0 : i32
      %dma_wait3A_469 = tpu.memref_slice %arg3[%dma_wait3A_468] : memref<1003520xf32, #tpu.memory_space<hbm>> -> memref<1003520xf32, #tpu.memory_space<hbm>>
      tpu.wait_indirect_dma semaphore(%arg14 : memref<!tpu.dma_semaphore, #tpu.memory_space<semaphore_mem>>) src(%dma_wait3A_469 : memref<1003520xf32, #tpu.memory_space<hbm>>) dst(%dma_wait3A_464 : memref<128xf32, #tpu.memory_space<vmem>>)
      %get3A_470 = arith.constant 2 : i32
      %get3A_471 = arith.index_cast %get3A_470 : i32 to index
      %get3A_472 = arith.constant 0 : index
      %get3A_473 = tpu.vector_load %arg8[%get3A_471, %get3A_472] {strides = array<i32>} : memref<4x128xf32, #tpu.memory_space<vmem>>, vector<16xf32>,
      %bitcast3A_474 = vector.bitcast %get3A_473 : vector<16xf32> to vector<16xi32>
      %and3A_475 = vector.broadcast %squeeze3A : i32 to vector<16xi32>
      %and3A_476 = arith.andi %bitcast3A_474, %and3A_475 : vector<16xi32>
      %bitcast3A_477 = vector.bitcast %and3A_476 : vector<16xi32> to vector<16xf32>
      %shift_left3A_478 = arith.constant 16 : i32
      %shift_left3A_479 = vector.broadcast %shift_left3A_478 : i32 to vector<16xi32>
      %shift_left3A_480 = arith.shli %bitcast3A_474, %shift_left3A_479 : vector<16xi32>
      %bitcast3A_481 = vector.bitcast %shift_left3A_480 : vector<16xi32> to vector<16xf32>
      %add3A_482 = arith.addf %add3A_350, %bitcast3A_477 : vector<16xf32>
      %add3A_483 = arith.addf %add3A_351, %bitcast3A_481 : vector<16xf32>
      %get3A_484 = arith.constant 2 : i32
      %get3A_485 = arith.index_cast %get3A_484 : i32 to index
      %get3A_486 = arith.constant 16 : index
      %get3A_487 = tpu.vector_load %arg8[%get3A_485, %get3A_486] {strides = array<i32>} : memref<4x128xf32, #tpu.memory_space<vmem>>, vector<16xf32>,
      %bitcast3A_488 = vector.bitcast %get3A_487 : vector<16xf32> to vector<16xi32>
      %and3A_489 = vector.broadcast %squeeze3A : i32 to vector<16xi32>
      %and3A_490 = arith.andi %bitcast3A_488, %and3A_489 : vector<16xi32>
      %bitcast3A_491 = vector.bitcast %and3A_490 : vector<16xi32> to vector<16xf32>
      %shift_left3A_492 = arith.constant 16 : i32
      %shift_left3A_493 = vector.broadcast %shift_left3A_492 : i32 to vector<16xi32>
      %shift_left3A_494 = arith.shli %bitcast3A_488, %shift_left3A_493 : vector<16xi32>
      %bitcast3A_495 = vector.bitcast %shift_left3A_494 : vector<16xi32> to vector<16xf32>
      %add3A_496 = arith.addf %add3A_364, %bitcast3A_491 : vector<16xf32>
      %add3A_497 = arith.addf %add3A_365, %bitcast3A_495 : vector<16xf32>
      %get3A_498 = arith.constant 2 : i32
      %get3A_499 = arith.index_cast %get3A_498 : i32 to index
      %get3A_500 = arith.constant 32 : index
      %get3A_501 = tpu.vector_load %arg8[%get3A_499, %get3A_500] {strides = array<i32>} : memref<4x128xf32, #tpu.memory_space<vmem>>, vector<16xf32>,
      %bitcast3A_502 = vector.bitcast %get3A_501 : vector<16xf32> to vector<16xi32>
      %and3A_503 = vector.broadcast %squeeze3A : i32 to vector<16xi32>
      %and3A_504 = arith.andi %bitcast3A_502, %and3A_503 : vector<16xi32>
      %bitcast3A_505 = vector.bitcast %and3A_504 : vector<16xi32> to vector<16xf32>
      %shift_left3A_506 = arith.constant 16 : i32
      %shift_left3A_507 = vector.broadcast %shift_left3A_506 : i32 to vector<16xi32>
      %shift_left3A_508 = arith.shli %bitcast3A_502, %shift_left3A_507 : vector<16xi32>
      %bitcast3A_509 = vector.bitcast %shift_left3A_508 : vector<16xi32> to vector<16xf32>
      %add3A_510 = arith.addf %add3A_378, %bitcast3A_505 : vector<16xf32>
      %add3A_511 = arith.addf %add3A_379, %bitcast3A_509 : vector<16xf32>
      %get3A_512 = arith.constant 2 : i32
      %get3A_513 = arith.index_cast %get3A_512 : i32 to index
      %get3A_514 = arith.constant 48 : index
      %get3A_515 = tpu.vector_load %arg8[%get3A_513, %get3A_514] {strides = array<i32>} : memref<4x128xf32, #tpu.memory_space<vmem>>, vector<16xf32>,
      %bitcast3A_516 = vector.bitcast %get3A_515 : vector<16xf32> to vector<16xi32>
      %and3A_517 = vector.broadcast %squeeze3A : i32 to vector<16xi32>
      %and3A_518 = arith.andi %bitcast3A_516, %and3A_517 : vector<16xi32>
      %bitcast3A_519 = vector.bitcast %and3A_518 : vector<16xi32> to vector<16xf32>
      %shift_left3A_520 = arith.constant 16 : i32
      %shift_left3A_521 = vector.broadcast %shift_left3A_520 : i32 to vector<16xi32>
      %shift_left3A_522 = arith.shli %bitcast3A_516, %shift_left3A_521 : vector<16xi32>
      %bitcast3A_523 = vector.bitcast %shift_left3A_522 : vector<16xi32> to vector<16xf32>
      %add3A_524 = arith.addf %add3A_392, %bitcast3A_519 : vector<16xf32>
      %add3A_525 = arith.addf %add3A_393, %bitcast3A_523 : vector<16xf32>
      %get3A_526 = arith.constant 2 : i32
      %get3A_527 = arith.index_cast %get3A_526 : i32 to index
      %get3A_528 = arith.constant 64 : index
      %get3A_529 = tpu.vector_load %arg8[%get3A_527, %get3A_528] {strides = array<i32>} : memref<4x128xf32, #tpu.memory_space<vmem>>, vector<16xf32>,
      %bitcast3A_530 = vector.bitcast %get3A_529 : vector<16xf32> to vector<16xi32>
      %and3A_531 = vector.broadcast %squeeze3A : i32 to vector<16xi32>
      %and3A_532 = arith.andi %bitcast3A_530, %and3A_531 : vector<16xi32>
      %bitcast3A_533 = vector.bitcast %and3A_532 : vector<16xi32> to vector<16xf32>
      %shift_left3A_534 = arith.constant 16 : i32
      %shift_left3A_535 = vector.broadcast %shift_left3A_534 : i32 to vector<16xi32>
      %shift_left3A_536 = arith.shli %bitcast3A_530, %shift_left3A_535 : vector<16xi32>
      %bitcast3A_537 = vector.bitcast %shift_left3A_536 : vector<16xi32> to vector<16xf32>
      %add3A_538 = arith.addf %add3A_406, %bitcast3A_533 : vector<16xf32>
      %add3A_539 = arith.addf %add3A_407, %bitcast3A_537 : vector<16xf32>
      %get3A_540 = arith.constant 2 : i32
      %get3A_541 = arith.index_cast %get3A_540 : i32 to index
      %get3A_542 = arith.constant 80 : index
      %get3A_543 = tpu.vector_load %arg8[%get3A_541, %get3A_542] {strides = array<i32>} : memref<4x128xf32, #tpu.memory_space<vmem>>, vector<16xf32>,
      %bitcast3A_544 = vector.bitcast %get3A_543 : vector<16xf32> to vector<16xi32>
      %and3A_545 = vector.broadcast %squeeze3A : i32 to vector<16xi32>
      %and3A_546 = arith.andi %bitcast3A_544, %and3A_545 : vector<16xi32>
      %bitcast3A_547 = vector.bitcast %and3A_546 : vector<16xi32> to vector<16xf32>
      %shift_left3A_548 = arith.constant 16 : i32
      %shift_left3A_549 = vector.broadcast %shift_left3A_548 : i32 to vector<16xi32>
      %shift_left3A_550 = arith.shli %bitcast3A_544, %shift_left3A_549 : vector<16xi32>
      %bitcast3A_551 = vector.bitcast %shift_left3A_550 : vector<16xi32> to vector<16xf32>
      %add3A_552 = arith.addf %add3A_420, %bitcast3A_547 : vector<16xf32>
      %add3A_553 = arith.addf %add3A_421, %bitcast3A_551 : vector<16xf32>
      %get3A_554 = arith.constant 2 : i32
      %get3A_555 = arith.index_cast %get3A_554 : i32 to index
      %get3A_556 = arith.constant 96 : index
      %get3A_557 = tpu.vector_load %arg8[%get3A_555, %get3A_556] {strides = array<i32>} : memref<4x128xf32, #tpu.memory_space<vmem>>, vector<16xf32>,
      %bitcast3A_558 = vector.bitcast %get3A_557 : vector<16xf32> to vector<16xi32>
      %and3A_559 = vector.broadcast %squeeze3A : i32 to vector<16xi32>
      %and3A_560 = arith.andi %bitcast3A_558, %and3A_559 : vector<16xi32>
      %bitcast3A_561 = vector.bitcast %and3A_560 : vector<16xi32> to vector<16xf32>
      %shift_left3A_562 = arith.constant 16 : i32
      %shift_left3A_563 = vector.broadcast %shift_left3A_562 : i32 to vector<16xi32>
      %shift_left3A_564 = arith.shli %bitcast3A_558, %shift_left3A_563 : vector<16xi32>
      %bitcast3A_565 = vector.bitcast %shift_left3A_564 : vector<16xi32> to vector<16xf32>
      %add3A_566 = arith.addf %add3A_434, %bitcast3A_561 : vector<16xf32>
      %add3A_567 = arith.addf %add3A_435, %bitcast3A_565 : vector<16xf32>
      %get3A_568 = arith.constant 2 : i32
      %get3A_569 = arith.index_cast %get3A_568 : i32 to index
      %get3A_570 = arith.constant 112 : index
      %get3A_571 = tpu.vector_load %arg8[%get3A_569, %get3A_570] {strides = array<i32>} : memref<4x128xf32, #tpu.memory_space<vmem>>, vector<16xf32>,
      %bitcast3A_572 = vector.bitcast %get3A_571 : vector<16xf32> to vector<16xi32>
      %and3A_573 = vector.broadcast %squeeze3A : i32 to vector<16xi32>
      %and3A_574 = arith.andi %bitcast3A_572, %and3A_573 : vector<16xi32>
      %bitcast3A_575 = vector.bitcast %and3A_574 : vector<16xi32> to vector<16xf32>
      %shift_left3A_576 = arith.constant 16 : i32
      %shift_left3A_577 = vector.broadcast %shift_left3A_576 : i32 to vector<16xi32>
      %shift_left3A_578 = arith.shli %bitcast3A_572, %shift_left3A_577 : vector<16xi32>
      %bitcast3A_579 = vector.bitcast %shift_left3A_578 : vector<16xi32> to vector<16xf32>
      %add3A_580 = arith.addf %add3A_448, %bitcast3A_575 : vector<16xf32>
      %add3A_581 = arith.addf %add3A_449, %bitcast3A_579 : vector<16xf32>
      %add3A_582 = arith.constant 4 : i32
      %add3A_583 = arith.addi %add3A_460, %add3A_582 : i32
      %lt3A_584 = arith.constant 200 : i32
      %lt3A_585 = arith.cmpi slt, %add3A_583, %lt3A_584 : i32
      %convert_element_type3A_586 = arith.extui %lt3A_585 : i1 to i32
      %cond3A_587 = arith.constant 0 : i32
      %cond3A_588 = arith.cmpi ne, %convert_element_type3A_586, %cond3A_587 : i32
      scf.if %cond3A_588 {
        %add3A_721 = arith.constant 4 : i32
        %add3A_722 = arith.addi %add3A_460, %add3A_721 : i32
        %dma_start3A_723 = arith.constant 2 : i32
        %dma_start3A_724 = arith.constant 0 : i32
        %dma_start3A_725 = tpu.memref_slice %arg8[%dma_start3A_723, %dma_start3A_724] : memref<4x128xf32, #tpu.memory_space<vmem>> -> memref<1x128xf32, #tpu.memory_space<vmem>>
        %dma_start3A_726 = tpu.memref_squeeze %dma_start3A_725 : memref<1x128xf32, #tpu.memory_space<vmem>> -> memref<128xf32, #tpu.memory_space<vmem>>
        %dma_start3A_727 = arith.constant 0 : i32
        %dma_start3A_728 = tpu.memref_slice %arg7[%add3A_722, %dma_start3A_727] : memref<200x128xi32, #tpu.memory_space<vmem>> -> memref<1x128xi32, #tpu.memory_space<vmem>>
        %dma_start3A_729 = tpu.memref_squeeze %dma_start3A_728 : memref<1x128xi32, #tpu.memory_space<vmem>> -> memref<128xi32, #tpu.memory_space<vmem>>
        %dma_start3A_730 = arith.constant 0 : i32
        %dma_start3A_731 = tpu.memref_slice %arg3[%dma_start3A_730] : memref<1003520xf32, #tpu.memory_space<hbm>> -> memref<1003520xf32, #tpu.memory_space<hbm>>
        tpu.enqueue_indirect_dma source(%dma_start3A_731 : memref<1003520xf32, #tpu.memory_space<hbm>>) target(%dma_start3A_726 : memref<128xf32, #tpu.memory_space<vmem>>) offsets(%dma_start3A_729 : memref<128xi32, #tpu.memory_space<vmem>>) semaphore(%arg14 : memref<!tpu.dma_semaphore, #tpu.memory_space<semaphore_mem>>)
      } else {
      }
      %mul3A_589 = arith.constant 4 : i32
      %mul3A_590 = arith.muli %mul3A_589, %scan3A_183 : i32
      %add3A_591 = arith.constant 3 : i32
      %add3A_592 = arith.addi %mul3A_590, %add3A_591 : i32
      %dma_wait3A_593 = arith.constant 3 : i32
      %dma_wait3A_594 = arith.constant 0 : i32
      %dma_wait3A_595 = tpu.memref_slice %arg8[%dma_wait3A_593, %dma_wait3A_594] : memref<4x128xf32, #tpu.memory_space<vmem>> -> memref<1x128xf32, #tpu.memory_space<vmem>>
      %dma_wait3A_596 = tpu.memref_squeeze %dma_wait3A_595 : memref<1x128xf32, #tpu.memory_space<vmem>> -> memref<128xf32, #tpu.memory_space<vmem>>
      %dma_wait3A_597 = arith.constant 0 : i32
      %dma_wait3A_598 = tpu.memref_slice %arg7[%add3A_592, %dma_wait3A_597] : memref<200x128xi32, #tpu.memory_space<vmem>> -> memref<1x128xi32, #tpu.memory_space<vmem>>
      %dma_wait3A_599 = tpu.memref_squeeze %dma_wait3A_598 : memref<1x128xi32, #tpu.memory_space<vmem>> -> memref<128xi32, #tpu.memory_space<vmem>>
      %dma_wait3A_600 = arith.constant 0 : i32
      %dma_wait3A_601 = tpu.memref_slice %arg3[%dma_wait3A_600] : memref<1003520xf32, #tpu.memory_space<hbm>> -> memref<1003520xf32, #tpu.memory_space<hbm>>
      tpu.wait_indirect_dma semaphore(%arg15 : memref<!tpu.dma_semaphore, #tpu.memory_space<semaphore_mem>>) src(%dma_wait3A_601 : memref<1003520xf32, #tpu.memory_space<hbm>>) dst(%dma_wait3A_596 : memref<128xf32, #tpu.memory_space<vmem>>)
      %get3A_602 = arith.constant 3 : i32
      %get3A_603 = arith.index_cast %get3A_602 : i32 to index
      %get3A_604 = arith.constant 0 : index
      %get3A_605 = tpu.vector_load %arg8[%get3A_603, %get3A_604] {strides = array<i32>} : memref<4x128xf32, #tpu.memory_space<vmem>>, vector<16xf32>,
      %bitcast3A_606 = vector.bitcast %get3A_605 : vector<16xf32> to vector<16xi32>
      %and3A_607 = vector.broadcast %squeeze3A : i32 to vector<16xi32>
      %and3A_608 = arith.andi %bitcast3A_606, %and3A_607 : vector<16xi32>
      %bitcast3A_609 = vector.bitcast %and3A_608 : vector<16xi32> to vector<16xf32>
      %shift_left3A_610 = arith.constant 16 : i32
      %shift_left3A_611 = vector.broadcast %shift_left3A_610 : i32 to vector<16xi32>
      %shift_left3A_612 = arith.shli %bitcast3A_606, %shift_left3A_611 : vector<16xi32>
      %bitcast3A_613 = vector.bitcast %shift_left3A_612 : vector<16xi32> to vector<16xf32>
      %add3A_614 = arith.addf %add3A_482, %bitcast3A_609 : vector<16xf32>
      %add3A_615 = arith.addf %add3A_483, %bitcast3A_613 : vector<16xf32>
      %get3A_616 = arith.constant 3 : i32
      %get3A_617 = arith.index_cast %get3A_616 : i32 to index
      %get3A_618 = arith.constant 16 : index
      %get3A_619 = tpu.vector_load %arg8[%get3A_617, %get3A_618] {strides = array<i32>} : memref<4x128xf32, #tpu.memory_space<vmem>>, vector<16xf32>,
      %bitcast3A_620 = vector.bitcast %get3A_619 : vector<16xf32> to vector<16xi32>
      %and3A_621 = vector.broadcast %squeeze3A : i32 to vector<16xi32>
      %and3A_622 = arith.andi %bitcast3A_620, %and3A_621 : vector<16xi32>
      %bitcast3A_623 = vector.bitcast %and3A_622 : vector<16xi32> to vector<16xf32>
      %shift_left3A_624 = arith.constant 16 : i32
      %shift_left3A_625 = vector.broadcast %shift_left3A_624 : i32 to vector<16xi32>
      %shift_left3A_626 = arith.shli %bitcast3A_620, %shift_left3A_625 : vector<16xi32>
      %bitcast3A_627 = vector.bitcast %shift_left3A_626 : vector<16xi32> to vector<16xf32>
      %add3A_628 = arith.addf %add3A_496, %bitcast3A_623 : vector<16xf32>
      %add3A_629 = arith.addf %add3A_497, %bitcast3A_627 : vector<16xf32>
      %get3A_630 = arith.constant 3 : i32
      %get3A_631 = arith.index_cast %get3A_630 : i32 to index
      %get3A_632 = arith.constant 32 : index
      %get3A_633 = tpu.vector_load %arg8[%get3A_631, %get3A_632] {strides = array<i32>} : memref<4x128xf32, #tpu.memory_space<vmem>>, vector<16xf32>,
      %bitcast3A_634 = vector.bitcast %get3A_633 : vector<16xf32> to vector<16xi32>
      %and3A_635 = vector.broadcast %squeeze3A : i32 to vector<16xi32>
      %and3A_636 = arith.andi %bitcast3A_634, %and3A_635 : vector<16xi32>
      %bitcast3A_637 = vector.bitcast %and3A_636 : vector<16xi32> to vector<16xf32>
      %shift_left3A_638 = arith.constant 16 : i32
      %shift_left3A_639 = vector.broadcast %shift_left3A_638 : i32 to vector<16xi32>
      %shift_left3A_640 = arith.shli %bitcast3A_634, %shift_left3A_639 : vector<16xi32>
      %bitcast3A_641 = vector.bitcast %shift_left3A_640 : vector<16xi32> to vector<16xf32>
      %add3A_642 = arith.addf %add3A_510, %bitcast3A_637 : vector<16xf32>
      %add3A_643 = arith.addf %add3A_511, %bitcast3A_641 : vector<16xf32>
      %get3A_644 = arith.constant 3 : i32
      %get3A_645 = arith.index_cast %get3A_644 : i32 to index
      %get3A_646 = arith.constant 48 : index
      %get3A_647 = tpu.vector_load %arg8[%get3A_645, %get3A_646] {strides = array<i32>} : memref<4x128xf32, #tpu.memory_space<vmem>>, vector<16xf32>,
      %bitcast3A_648 = vector.bitcast %get3A_647 : vector<16xf32> to vector<16xi32>
      %and3A_649 = vector.broadcast %squeeze3A : i32 to vector<16xi32>
      %and3A_650 = arith.andi %bitcast3A_648, %and3A_649 : vector<16xi32>
      %bitcast3A_651 = vector.bitcast %and3A_650 : vector<16xi32> to vector<16xf32>
      %shift_left3A_652 = arith.constant 16 : i32
      %shift_left3A_653 = vector.broadcast %shift_left3A_652 : i32 to vector<16xi32>
      %shift_left3A_654 = arith.shli %bitcast3A_648, %shift_left3A_653 : vector<16xi32>
      %bitcast3A_655 = vector.bitcast %shift_left3A_654 : vector<16xi32> to vector<16xf32>
      %add3A_656 = arith.addf %add3A_524, %bitcast3A_651 : vector<16xf32>
      %add3A_657 = arith.addf %add3A_525, %bitcast3A_655 : vector<16xf32>
      %get3A_658 = arith.constant 3 : i32
      %get3A_659 = arith.index_cast %get3A_658 : i32 to index
      %get3A_660 = arith.constant 64 : index
      %get3A_661 = tpu.vector_load %arg8[%get3A_659, %get3A_660] {strides = array<i32>} : memref<4x128xf32, #tpu.memory_space<vmem>>, vector<16xf32>,
      %bitcast3A_662 = vector.bitcast %get3A_661 : vector<16xf32> to vector<16xi32>
      %and3A_663 = vector.broadcast %squeeze3A : i32 to vector<16xi32>
      %and3A_664 = arith.andi %bitcast3A_662, %and3A_663 : vector<16xi32>
      %bitcast3A_665 = vector.bitcast %and3A_664 : vector<16xi32> to vector<16xf32>
      %shift_left3A_666 = arith.constant 16 : i32
      %shift_left3A_667 = vector.broadcast %shift_left3A_666 : i32 to vector<16xi32>
      %shift_left3A_668 = arith.shli %bitcast3A_662, %shift_left3A_667 : vector<16xi32>
      %bitcast3A_669 = vector.bitcast %shift_left3A_668 : vector<16xi32> to vector<16xf32>
      %add3A_670 = arith.addf %add3A_538, %bitcast3A_665 : vector<16xf32>
      %add3A_671 = arith.addf %add3A_539, %bitcast3A_669 : vector<16xf32>
      %get3A_672 = arith.constant 3 : i32
      %get3A_673 = arith.index_cast %get3A_672 : i32 to index
      %get3A_674 = arith.constant 80 : index
      %get3A_675 = tpu.vector_load %arg8[%get3A_673, %get3A_674] {strides = array<i32>} : memref<4x128xf32, #tpu.memory_space<vmem>>, vector<16xf32>,
      %bitcast3A_676 = vector.bitcast %get3A_675 : vector<16xf32> to vector<16xi32>
      %and3A_677 = vector.broadcast %squeeze3A : i32 to vector<16xi32>
      %and3A_678 = arith.andi %bitcast3A_676, %and3A_677 : vector<16xi32>
      %bitcast3A_679 = vector.bitcast %and3A_678 : vector<16xi32> to vector<16xf32>
      %shift_left3A_680 = arith.constant 16 : i32
      %shift_left3A_681 = vector.broadcast %shift_left3A_680 : i32 to vector<16xi32>
      %shift_left3A_682 = arith.shli %bitcast3A_676, %shift_left3A_681 : vector<16xi32>
      %bitcast3A_683 = vector.bitcast %shift_left3A_682 : vector<16xi32> to vector<16xf32>
      %add3A_684 = arith.addf %add3A_552, %bitcast3A_679 : vector<16xf32>
      %add3A_685 = arith.addf %add3A_553, %bitcast3A_683 : vector<16xf32>
      %get3A_686 = arith.constant 3 : i32
      %get3A_687 = arith.index_cast %get3A_686 : i32 to index
      %get3A_688 = arith.constant 96 : index
      %get3A_689 = tpu.vector_load %arg8[%get3A_687, %get3A_688] {strides = array<i32>} : memref<4x128xf32, #tpu.memory_space<vmem>>, vector<16xf32>,
      %bitcast3A_690 = vector.bitcast %get3A_689 : vector<16xf32> to vector<16xi32>
      %and3A_691 = vector.broadcast %squeeze3A : i32 to vector<16xi32>
      %and3A_692 = arith.andi %bitcast3A_690, %and3A_691 : vector<16xi32>
      %bitcast3A_693 = vector.bitcast %and3A_692 : vector<16xi32> to vector<16xf32>
      %shift_left3A_694 = arith.constant 16 : i32
      %shift_left3A_695 = vector.broadcast %shift_left3A_694 : i32 to vector<16xi32>
      %shift_left3A_696 = arith.shli %bitcast3A_690, %shift_left3A_695 : vector<16xi32>
      %bitcast3A_697 = vector.bitcast %shift_left3A_696 : vector<16xi32> to vector<16xf32>
      %add3A_698 = arith.addf %add3A_566, %bitcast3A_693 : vector<16xf32>
      %add3A_699 = arith.addf %add3A_567, %bitcast3A_697 : vector<16xf32>
      %get3A_700 = arith.constant 3 : i32
      %get3A_701 = arith.index_cast %get3A_700 : i32 to index
      %get3A_702 = arith.constant 112 : index
      %get3A_703 = tpu.vector_load %arg8[%get3A_701, %get3A_702] {strides = array<i32>} : memref<4x128xf32, #tpu.memory_space<vmem>>, vector<16xf32>,
      %bitcast3A_704 = vector.bitcast %get3A_703 : vector<16xf32> to vector<16xi32>
      %and3A_705 = vector.broadcast %squeeze3A : i32 to vector<16xi32>
      %and3A_706 = arith.andi %bitcast3A_704, %and3A_705 : vector<16xi32>
      %bitcast3A_707 = vector.bitcast %and3A_706 : vector<16xi32> to vector<16xf32>
      %shift_left3A_708 = arith.constant 16 : i32
      %shift_left3A_709 = vector.broadcast %shift_left3A_708 : i32 to vector<16xi32>
      %shift_left3A_710 = arith.shli %bitcast3A_704, %shift_left3A_709 : vector<16xi32>
      %bitcast3A_711 = vector.bitcast %shift_left3A_710 : vector<16xi32> to vector<16xf32>
      %add3A_712 = arith.addf %add3A_580, %bitcast3A_707 : vector<16xf32>
      %add3A_713 = arith.addf %add3A_581, %bitcast3A_711 : vector<16xf32>
      %add3A_714 = arith.constant 4 : i32
      %add3A_715 = arith.addi %add3A_592, %add3A_714 : i32
      %lt3A_716 = arith.constant 200 : i32
      %lt3A_717 = arith.cmpi slt, %add3A_715, %lt3A_716 : i32
      %convert_element_type3A_718 = arith.extui %lt3A_717 : i1 to i32
      %cond3A_719 = arith.constant 0 : i32
      %cond3A_720 = arith.cmpi ne, %convert_element_type3A_718, %cond3A_719 : i32
      scf.if %cond3A_720 {
        %add3A_721 = arith.constant 4 : i32
        %add3A_722 = arith.addi %add3A_592, %add3A_721 : i32
        %dma_start3A_723 = arith.constant 3 : i32
        %dma_start3A_724 = arith.constant 0 : i32
        %dma_start3A_725 = tpu.memref_slice %arg8[%dma_start3A_723, %dma_start3A_724] : memref<4x128xf32, #tpu.memory_space<vmem>> -> memref<1x128xf32, #tpu.memory_space<vmem>>
        %dma_start3A_726 = tpu.memref_squeeze %dma_start3A_725 : memref<1x128xf32, #tpu.memory_space<vmem>> -> memref<128xf32, #tpu.memory_space<vmem>>
        %dma_start3A_727 = arith.constant 0 : i32
        %dma_start3A_728 = tpu.memref_slice %arg7[%add3A_722, %dma_start3A_727] : memref<200x128xi32, #tpu.memory_space<vmem>> -> memref<1x128xi32, #tpu.memory_space<vmem>>
        %dma_start3A_729 = tpu.memref_squeeze %dma_start3A_728 : memref<1x128xi32, #tpu.memory_space<vmem>> -> memref<128xi32, #tpu.memory_space<vmem>>
        %dma_start3A_730 = arith.constant 0 : i32
        %dma_start3A_731 = tpu.memref_slice %arg3[%dma_start3A_730] : memref<1003520xf32, #tpu.memory_space<hbm>> -> memref<1003520xf32, #tpu.memory_space<hbm>>
        tpu.enqueue_indirect_dma source(%dma_start3A_731 : memref<1003520xf32, #tpu.memory_space<hbm>>) target(%dma_start3A_726 : memref<128xf32, #tpu.memory_space<vmem>>) offsets(%dma_start3A_729 : memref<128xi32, #tpu.memory_space<vmem>>) semaphore(%arg15 : memref<!tpu.dma_semaphore, #tpu.memory_space<semaphore_mem>>)
      } else {
      }
      scf.yield %add3A_614, %add3A_628, %add3A_642, %add3A_656, %add3A_670, %add3A_684, %add3A_698, %add3A_712, %add3A_615, %add3A_629, %add3A_643, %add3A_657, %add3A_671, %add3A_685, %add3A_699, %add3A_713 : vector<16xf32>, vector<16xf32>, vector<16xf32>, vector<16xf32>, vector<16xf32>, vector<16xf32>, vector<16xf32>, vector<16xf32>, vector<16xf32>, vector<16xf32>, vector<16xf32>, vector<16xf32>, vector<16xf32>, vector<16xf32>, vector<16xf32>, vector<16xf32>
    }
    %scan3A_78 = arith.constant 50 : i32
    %get3A_79 = arith.constant 0 : i32
    %get3A_80 = arith.index_cast %get3A_79 : i32 to index
    %get3A_81 = arith.constant 0 : index
    %get3A_82 = tpu.vector_load %arg11[%get3A_80, %get3A_81] {strides = array<i32>} : memref<2x16xf32, #tpu.memory_space<vmem>>, vector<16xf32>,
    %get3A_83 = arith.constant 1 : i32
    %get3A_84 = arith.index_cast %get3A_83 : i32 to index
    %get3A_85 = arith.constant 0 : index
    %get3A_86 = tpu.vector_load %arg11[%get3A_84, %get3A_85] {strides = array<i32>} : memref<2x16xf32, #tpu.memory_space<vmem>>, vector<16xf32>,
    %mul3A_87 = arith.constant 5.000000e-03 : f32
    %mul3A_88 = vector.broadcast %mul3A_87 : f32 to vector<16xf32>
    %mul3A_89 = arith.mulf %scan3A_77#0, %mul3A_88 : vector<16xf32>
    %add3A_90 = arith.addf %mul3A_89, %get3A_82 : vector<16xf32>
    %swap3A = arith.constant 0 : index
    %swap3A_91 = tpu.vector_load %arg9[%swap3A] {strides = array<i32>} : memref<128xf32, #tpu.memory_space<vmem>>, vector<16xf32>,
    tpu.vector_store %arg9[%swap3A], %add3A_90 {strides = array<i32>} : memref<128xf32, #tpu.memory_space<vmem>>, vector<16xf32>,
    %mul3A_92 = arith.constant 5.000000e-03 : f32
    %mul3A_93 = vector.broadcast %mul3A_92 : f32 to vector<16xf32>
    %mul3A_94 = arith.mulf %scan3A_77#8, %mul3A_93 : vector<16xf32>
    %add3A_95 = arith.addf %mul3A_94, %get3A_86 : vector<16xf32>
    %swap3A_96 = arith.constant 0 : index
    %swap3A_97 = tpu.vector_load %arg10[%swap3A_96] {strides = array<i32>} : memref<128xf32, #tpu.memory_space<vmem>>, vector<16xf32>,
    tpu.vector_store %arg10[%swap3A_96], %add3A_95 {strides = array<i32>} : memref<128xf32, #tpu.memory_space<vmem>>, vector<16xf32>,
    %mul3A_98 = arith.constant 5.000000e-03 : f32
    %mul3A_99 = vector.broadcast %mul3A_98 : f32 to vector<16xf32>
    %mul3A_100 = arith.mulf %scan3A_77#1, %mul3A_99 : vector<16xf32>
    %add3A_101 = arith.addf %mul3A_100, %get3A_82 : vector<16xf32>
    %swap3A_102 = arith.constant 16 : index
    %swap3A_103 = tpu.vector_load %arg9[%swap3A_102] {strides = array<i32>} : memref<128xf32, #tpu.memory_space<vmem>>, vector<16xf32>,
    tpu.vector_store %arg9[%swap3A_102], %add3A_101 {strides = array<i32>} : memref<128xf32, #tpu.memory_space<vmem>>, vector<16xf32>,
    %mul3A_104 = arith.constant 5.000000e-03 : f32
    %mul3A_105 = vector.broadcast %mul3A_104 : f32 to vector<16xf32>
    %mul3A_106 = arith.mulf %scan3A_77#9, %mul3A_105 : vector<16xf32>
    %add3A_107 = arith.addf %mul3A_106, %get3A_86 : vector<16xf32>
    %swap3A_108 = arith.constant 16 : index
    %swap3A_109 = tpu.vector_load %arg10[%swap3A_108] {strides = array<i32>} : memref<128xf32, #tpu.memory_space<vmem>>, vector<16xf32>,
    tpu.vector_store %arg10[%swap3A_108], %add3A_107 {strides = array<i32>} : memref<128xf32, #tpu.memory_space<vmem>>, vector<16xf32>,
    %mul3A_110 = arith.constant 5.000000e-03 : f32
    %mul3A_111 = vector.broadcast %mul3A_110 : f32 to vector<16xf32>
    %mul3A_112 = arith.mulf %scan3A_77#2, %mul3A_111 : vector<16xf32>
    %add3A_113 = arith.addf %mul3A_112, %get3A_82 : vector<16xf32>
    %swap3A_114 = arith.constant 32 : index
    %swap3A_115 = tpu.vector_load %arg9[%swap3A_114] {strides = array<i32>} : memref<128xf32, #tpu.memory_space<vmem>>, vector<16xf32>,
    tpu.vector_store %arg9[%swap3A_114], %add3A_113 {strides = array<i32>} : memref<128xf32, #tpu.memory_space<vmem>>, vector<16xf32>,
    %mul3A_116 = arith.constant 5.000000e-03 : f32
    %mul3A_117 = vector.broadcast %mul3A_116 : f32 to vector<16xf32>
    %mul3A_118 = arith.mulf %scan3A_77#10, %mul3A_117 : vector<16xf32>
    %add3A_119 = arith.addf %mul3A_118, %get3A_86 : vector<16xf32>
    %swap3A_120 = arith.constant 32 : index
    %swap3A_121 = tpu.vector_load %arg10[%swap3A_120] {strides = array<i32>} : memref<128xf32, #tpu.memory_space<vmem>>, vector<16xf32>,
    tpu.vector_store %arg10[%swap3A_120], %add3A_119 {strides = array<i32>} : memref<128xf32, #tpu.memory_space<vmem>>, vector<16xf32>,
    %mul3A_122 = arith.constant 5.000000e-03 : f32
    %mul3A_123 = vector.broadcast %mul3A_122 : f32 to vector<16xf32>
    %mul3A_124 = arith.mulf %scan3A_77#3, %mul3A_123 : vector<16xf32>
    %add3A_125 = arith.addf %mul3A_124, %get3A_82 : vector<16xf32>
    %swap3A_126 = arith.constant 48 : index
    %swap3A_127 = tpu.vector_load %arg9[%swap3A_126] {strides = array<i32>} : memref<128xf32, #tpu.memory_space<vmem>>, vector<16xf32>,
    tpu.vector_store %arg9[%swap3A_126], %add3A_125 {strides = array<i32>} : memref<128xf32, #tpu.memory_space<vmem>>, vector<16xf32>,
    %mul3A_128 = arith.constant 5.000000e-03 : f32
    %mul3A_129 = vector.broadcast %mul3A_128 : f32 to vector<16xf32>
    %mul3A_130 = arith.mulf %scan3A_77#11, %mul3A_129 : vector<16xf32>
    %add3A_131 = arith.addf %mul3A_130, %get3A_86 : vector<16xf32>
    %swap3A_132 = arith.constant 48 : index
    %swap3A_133 = tpu.vector_load %arg10[%swap3A_132] {strides = array<i32>} : memref<128xf32, #tpu.memory_space<vmem>>, vector<16xf32>,
    tpu.vector_store %arg10[%swap3A_132], %add3A_131 {strides = array<i32>} : memref<128xf32, #tpu.memory_space<vmem>>, vector<16xf32>,
    %mul3A_134 = arith.constant 5.000000e-03 : f32
    %mul3A_135 = vector.broadcast %mul3A_134 : f32 to vector<16xf32>
    %mul3A_136 = arith.mulf %scan3A_77#4, %mul3A_135 : vector<16xf32>
    %add3A_137 = arith.addf %mul3A_136, %get3A_82 : vector<16xf32>
    %swap3A_138 = arith.constant 64 : index
    %swap3A_139 = tpu.vector_load %arg9[%swap3A_138] {strides = array<i32>} : memref<128xf32, #tpu.memory_space<vmem>>, vector<16xf32>,
    tpu.vector_store %arg9[%swap3A_138], %add3A_137 {strides = array<i32>} : memref<128xf32, #tpu.memory_space<vmem>>, vector<16xf32>,
    %mul3A_140 = arith.constant 5.000000e-03 : f32
    %mul3A_141 = vector.broadcast %mul3A_140 : f32 to vector<16xf32>
    %mul3A_142 = arith.mulf %scan3A_77#12, %mul3A_141 : vector<16xf32>
    %add3A_143 = arith.addf %mul3A_142, %get3A_86 : vector<16xf32>
    %swap3A_144 = arith.constant 64 : index
    %swap3A_145 = tpu.vector_load %arg10[%swap3A_144] {strides = array<i32>} : memref<128xf32, #tpu.memory_space<vmem>>, vector<16xf32>,
    tpu.vector_store %arg10[%swap3A_144], %add3A_143 {strides = array<i32>} : memref<128xf32, #tpu.memory_space<vmem>>, vector<16xf32>,
    %mul3A_146 = arith.constant 5.000000e-03 : f32
    %mul3A_147 = vector.broadcast %mul3A_146 : f32 to vector<16xf32>
    %mul3A_148 = arith.mulf %scan3A_77#5, %mul3A_147 : vector<16xf32>
    %add3A_149 = arith.addf %mul3A_148, %get3A_82 : vector<16xf32>
    %swap3A_150 = arith.constant 80 : index
    %swap3A_151 = tpu.vector_load %arg9[%swap3A_150] {strides = array<i32>} : memref<128xf32, #tpu.memory_space<vmem>>, vector<16xf32>,
    tpu.vector_store %arg9[%swap3A_150], %add3A_149 {strides = array<i32>} : memref<128xf32, #tpu.memory_space<vmem>>, vector<16xf32>,
    %mul3A_152 = arith.constant 5.000000e-03 : f32
    %mul3A_153 = vector.broadcast %mul3A_152 : f32 to vector<16xf32>
    %mul3A_154 = arith.mulf %scan3A_77#13, %mul3A_153 : vector<16xf32>
    %add3A_155 = arith.addf %mul3A_154, %get3A_86 : vector<16xf32>
    %swap3A_156 = arith.constant 80 : index
    %swap3A_157 = tpu.vector_load %arg10[%swap3A_156] {strides = array<i32>} : memref<128xf32, #tpu.memory_space<vmem>>, vector<16xf32>,
    tpu.vector_store %arg10[%swap3A_156], %add3A_155 {strides = array<i32>} : memref<128xf32, #tpu.memory_space<vmem>>, vector<16xf32>,
    %mul3A_158 = arith.constant 5.000000e-03 : f32
    %mul3A_159 = vector.broadcast %mul3A_158 : f32 to vector<16xf32>
    %mul3A_160 = arith.mulf %scan3A_77#6, %mul3A_159 : vector<16xf32>
    %add3A_161 = arith.addf %mul3A_160, %get3A_82 : vector<16xf32>
    %swap3A_162 = arith.constant 96 : index
    %swap3A_163 = tpu.vector_load %arg9[%swap3A_162] {strides = array<i32>} : memref<128xf32, #tpu.memory_space<vmem>>, vector<16xf32>,
    tpu.vector_store %arg9[%swap3A_162], %add3A_161 {strides = array<i32>} : memref<128xf32, #tpu.memory_space<vmem>>, vector<16xf32>,
    %mul3A_164 = arith.constant 5.000000e-03 : f32
    %mul3A_165 = vector.broadcast %mul3A_164 : f32 to vector<16xf32>
    %mul3A_166 = arith.mulf %scan3A_77#14, %mul3A_165 : vector<16xf32>
    %add3A_167 = arith.addf %mul3A_166, %get3A_86 : vector<16xf32>
    %swap3A_168 = arith.constant 96 : index
    %swap3A_169 = tpu.vector_load %arg10[%swap3A_168] {strides = array<i32>} : memref<128xf32, #tpu.memory_space<vmem>>, vector<16xf32>,
    tpu.vector_store %arg10[%swap3A_168], %add3A_167 {strides = array<i32>} : memref<128xf32, #tpu.memory_space<vmem>>, vector<16xf32>,
    %mul3A_170 = arith.constant 5.000000e-03 : f32
    %mul3A_171 = vector.broadcast %mul3A_170 : f32 to vector<16xf32>
    %mul3A_172 = arith.mulf %scan3A_77#7, %mul3A_171 : vector<16xf32>
    %add3A_173 = arith.addf %mul3A_172, %get3A_82 : vector<16xf32>
    %swap3A_174 = arith.constant 112 : index
    %swap3A_175 = tpu.vector_load %arg9[%swap3A_174] {strides = array<i32>} : memref<128xf32, #tpu.memory_space<vmem>>, vector<16xf32>,
    tpu.vector_store %arg9[%swap3A_174], %add3A_173 {strides = array<i32>} : memref<128xf32, #tpu.memory_space<vmem>>, vector<16xf32>,
    %mul3A_176 = arith.constant 5.000000e-03 : f32
    %mul3A_177 = vector.broadcast %mul3A_176 : f32 to vector<16xf32>
    %mul3A_178 = arith.mulf %scan3A_77#15, %mul3A_177 : vector<16xf32>
    %add3A_179 = arith.addf %mul3A_178, %get3A_86 : vector<16xf32>
    %swap3A_180 = arith.constant 112 : index
    %swap3A_181 = tpu.vector_load %arg10[%swap3A_180] {strides = array<i32>} : memref<128xf32, #tpu.memory_space<vmem>>, vector<16xf32>,
    tpu.vector_store %arg10[%swap3A_180], %add3A_179 {strides = array<i32>} : memref<128xf32, #tpu.memory_space<vmem>>, vector<16xf32>,
    %run_scoped3A = arith.constant 0 : i32
    "tpu.region"() ({
      %run_scoped3A_183 = tpu.sem_alloc : memref<!tpu.dma_semaphore, #tpu.memory_space<semaphore_mem>>
      %dma_start3A_184 = tpu.memref_slice %arg6[%run_scoped3A, %mul3A_3] : memref<2x4096xf32, #tpu.memory_space<hbm>> -> memref<1x128xf32, #tpu.memory_space<hbm>>
      %dma_start3A_185 = tpu.memref_squeeze %dma_start3A_184 : memref<1x128xf32, #tpu.memory_space<hbm>> -> memref<128xf32, #tpu.memory_space<hbm>>
      %dma_start3A_186 = tpu.memref_slice %arg6[%run_scoped3A, %mul3A_3] : memref<2x4096xf32, #tpu.memory_space<hbm>> -> memref<1x128xf32, #tpu.memory_space<hbm>>
      %dma_start3A_187 = tpu.memref_squeeze %dma_start3A_186 : memref<1x128xf32, #tpu.memory_space<hbm>> -> memref<128xf32, #tpu.memory_space<hbm>>
      tpu.enqueue_dma source(%arg9 : memref<128xf32, #tpu.memory_space<vmem>>) target(%dma_start3A_187 : memref<128xf32, #tpu.memory_space<hbm>>) target_semaphore(%run_scoped3A_183 : memref<!tpu.dma_semaphore, #tpu.memory_space<semaphore_mem>>)
      %dma_wait3A = tpu.memref_slice %arg6[%run_scoped3A, %mul3A_3] : memref<2x4096xf32, #tpu.memory_space<hbm>> -> memref<1x128xf32, #tpu.memory_space<hbm>>
      %dma_wait3A_188 = tpu.memref_squeeze %dma_wait3A : memref<1x128xf32, #tpu.memory_space<hbm>> -> memref<128xf32, #tpu.memory_space<hbm>>
      %dma_wait3A_189 = tpu.memref_slice %arg6[%run_scoped3A, %mul3A_3] : memref<2x4096xf32, #tpu.memory_space<hbm>> -> memref<1x128xf32, #tpu.memory_space<hbm>>
      %dma_wait3A_190 = tpu.memref_squeeze %dma_wait3A_189 : memref<1x128xf32, #tpu.memory_space<hbm>> -> memref<128xf32, #tpu.memory_space<hbm>>
      tpu.wait_dma2 semaphore(%run_scoped3A_183 : memref<!tpu.dma_semaphore, #tpu.memory_space<semaphore_mem>>) src(%arg9 : memref<128xf32, #tpu.memory_space<vmem>>) dst(%dma_wait3A_190 : memref<128xf32, #tpu.memory_space<hbm>>)
      tpu.yield
    }) : () -> ()
    %run_scoped3A_182 = arith.constant 1 : i32
    "tpu.region"() ({
      %run_scoped3A_183 = tpu.sem_alloc : memref<!tpu.dma_semaphore, #tpu.memory_space<semaphore_mem>>
      %dma_start3A_184 = tpu.memref_slice %arg6[%run_scoped3A_182, %mul3A_3] : memref<2x4096xf32, #tpu.memory_space<hbm>> -> memref<1x128xf32, #tpu.memory_space<hbm>>
      %dma_start3A_185 = tpu.memref_squeeze %dma_start3A_184 : memref<1x128xf32, #tpu.memory_space<hbm>> -> memref<128xf32, #tpu.memory_space<hbm>>
      %dma_start3A_186 = tpu.memref_slice %arg6[%run_scoped3A_182, %mul3A_3] : memref<2x4096xf32, #tpu.memory_space<hbm>> -> memref<1x128xf32, #tpu.memory_space<hbm>>
      %dma_start3A_187 = tpu.memref_squeeze %dma_start3A_186 : memref<1x128xf32, #tpu.memory_space<hbm>> -> memref<128xf32, #tpu.memory_space<hbm>>
      tpu.enqueue_dma source(%arg10 : memref<128xf32, #tpu.memory_space<vmem>>) target(%dma_start3A_187 : memref<128xf32, #tpu.memory_space<hbm>>) target_semaphore(%run_scoped3A_183 : memref<!tpu.dma_semaphore, #tpu.memory_space<semaphore_mem>>)
      %dma_wait3A = tpu.memref_slice %arg6[%run_scoped3A_182, %mul3A_3] : memref<2x4096xf32, #tpu.memory_space<hbm>> -> memref<1x128xf32, #tpu.memory_space<hbm>>
      %dma_wait3A_188 = tpu.memref_squeeze %dma_wait3A : memref<1x128xf32, #tpu.memory_space<hbm>> -> memref<128xf32, #tpu.memory_space<hbm>>
      %dma_wait3A_189 = tpu.memref_slice %arg6[%run_scoped3A_182, %mul3A_3] : memref<2x4096xf32, #tpu.memory_space<hbm>> -> memref<1x128xf32, #tpu.memory_space<hbm>>
      %dma_wait3A_190 = tpu.memref_squeeze %dma_wait3A_189 : memref<1x128xf32, #tpu.memory_space<hbm>> -> memref<128xf32, #tpu.memory_space<hbm>>
      tpu.wait_dma2 semaphore(%run_scoped3A_183 : memref<!tpu.dma_semaphore, #tpu.memory_space<semaphore_mem>>) src(%arg10 : memref<128xf32, #tpu.memory_space<vmem>>) dst(%dma_wait3A_190 : memref<128xf32, #tpu.memory_space<hbm>>)
      tpu.yield
    }) : () -> ()
    return
  }
}

module attributes {stable_mosaic.version = 14 : i64} {
  func.func @body(%arg0: i32, %arg1: memref<64x20480xf32, #tpu.memory_space<vmem>>, %arg2: memref<128x64xf32, #tpu.memory_space<vmem>>, %arg3: memref<2x128xf32, #tpu.memory_space<vmem>>, %arg4: memref<128x16xf32, #tpu.memory_space<vmem>>, %arg5: memref<2x16xf32, #tpu.memory_space<vmem>>, %arg6: memref<20480xf32, #tpu.memory_space<vmem>>, %arg7: memref<2x16xf32, #tpu.memory_space<vmem>>) attributes {dimension_semantics = [#tpu.dimension_semantics<arbitrary>], iteration_bounds = array<i64: 49>, scalar_prefetch = 0 : i64, scratch_operands = 0 : i64, tpu.core_type = #tpu.core_type<tc>, window_params = [{transform_indices = @transform_0, window_bounds = array<i64: 64, 20480>}, {pipeline_mode = #tpu.pipeline_mode<synchronous>, transform_indices = @transform_1, window_bounds = array<i64: 128, 64>}, {pipeline_mode = #tpu.pipeline_mode<synchronous>, transform_indices = @transform_2, window_bounds = array<i64: 2, 128>}, {pipeline_mode = #tpu.pipeline_mode<synchronous>, transform_indices = @transform_3, window_bounds = array<i64: 128, 16>}, {pipeline_mode = #tpu.pipeline_mode<synchronous>, transform_indices = @transform_4, window_bounds = array<i64: 2, 16>}, {transform_indices = @transform_5, window_bounds = array<i64: 20480>}, {pipeline_mode = #tpu.pipeline_mode<synchronous>, transform_indices = @transform_6, window_bounds = array<i64: 2, 16>}]} {
    %get3A = arith.constant 0 : index
    %get3A_0 = arith.constant 0 : index
    %get3A_1 = vector.load %arg3[%get3A, %get3A_0] : memref<2x128xf32, #tpu.memory_space<vmem>>, vector<2x128xf32>
    %get3A_2 = arith.constant 0 : index
    %get3A_3 = arith.constant 0 : index
    %get3A_4 = vector.load %arg2[%get3A_2, %get3A_3] : memref<128x64xf32, #tpu.memory_space<vmem>>, vector<128x64xf32>
    %dot_general3A = arith.constant dense<0.000000e+00> : vector<2x64xf32>
    %dot_general3A_5 = tpu.matmul %get3A_1, %get3A_4, %dot_general3A {dimension_numbers = #tpu.dot_dimension_numbers<[1], [0], [0], [1], [0, 0, 1, 1], [], []>, transpose_lhs_hint = false} : vector<2x128xf32>, vector<128x64xf32>, vector<2x64xf32> -> vector<2x64xf32>
    %get3A_6 = arith.constant 0 : index
    %get3A_7 = arith.constant 0 : index
    %get3A_8 = vector.load %arg1[%get3A_6, %get3A_7] : memref<64x20480xf32, #tpu.memory_space<vmem>>, vector<64x20480xf32>
    %dot_general3A_9 = arith.constant dense<0.000000e+00> : vector<2x20480xf32>
    %dot_general3A_10 = tpu.matmul %dot_general3A_5, %get3A_8, %dot_general3A_9 {dimension_numbers = #tpu.dot_dimension_numbers<[1], [0], [0], [1], [0, 0, 1, 1], [], []>, transpose_lhs_hint = false} : vector<2x64xf32>, vector<64x20480xf32>, vector<2x20480xf32> -> vector<2x20480xf32>
    %slice3A = vector.extract_strided_slice %dot_general3A_10 {offsets = [0, 0], sizes = [1, 20480], strides = [1, 1]} : vector<2x20480xf32> to vector<1x20480xf32>
    %squeeze3A = vector.shape_cast %slice3A : vector<1x20480xf32> to vector<20480xf32>
    %bitcast_convert_type3A = tpu.bitcast %squeeze3A : vector<20480xf32> -> vector<20480xi32>
    %add3A = arith.constant 32767 : i32
    %add3A_11 = vector.broadcast %add3A : i32 to vector<20480xi32>
    %add3A_12 = arith.addi %bitcast_convert_type3A, %add3A_11 : vector<20480xi32>
    %shift_right_logical3A = arith.constant 16 : i32
    %shift_right_logical3A_13 = vector.broadcast %shift_right_logical3A : i32 to vector<20480xi32>
    %shift_right_logical3A_14 = arith.shrui %bitcast_convert_type3A, %shift_right_logical3A_13 : vector<20480xi32>
    %and3A = arith.constant 1 : i32
    %and3A_15 = vector.broadcast %and3A : i32 to vector<20480xi32>
    %and3A_16 = arith.andi %shift_right_logical3A_14, %and3A_15 : vector<20480xi32>
    %add3A_17 = arith.addi %add3A_12, %and3A_16 : vector<20480xi32>
    %shift_right_logical3A_18 = arith.constant 16 : i32
    %shift_right_logical3A_19 = vector.broadcast %shift_right_logical3A_18 : i32 to vector<20480xi32>
    %shift_right_logical3A_20 = arith.shrui %add3A_17, %shift_right_logical3A_19 : vector<20480xi32>
    %shift_left3A = arith.constant 16 : i32
    %shift_left3A_21 = vector.broadcast %shift_left3A : i32 to vector<20480xi32>
    %shift_left3A_22 = arith.shli %shift_right_logical3A_20, %shift_left3A_21 : vector<20480xi32>
    %slice3A_23 = vector.extract_strided_slice %dot_general3A_10 {offsets = [1, 0], sizes = [1, 20480], strides = [1, 1]} : vector<2x20480xf32> to vector<1x20480xf32>
    %squeeze3A_24 = vector.shape_cast %slice3A_23 : vector<1x20480xf32> to vector<20480xf32>
    %bitcast_convert_type3A_25 = tpu.bitcast %squeeze3A_24 : vector<20480xf32> -> vector<20480xi32>
    %add3A_26 = arith.constant 32767 : i32
    %add3A_27 = vector.broadcast %add3A_26 : i32 to vector<20480xi32>
    %add3A_28 = arith.addi %bitcast_convert_type3A_25, %add3A_27 : vector<20480xi32>
    %shift_right_logical3A_29 = arith.constant 16 : i32
    %shift_right_logical3A_30 = vector.broadcast %shift_right_logical3A_29 : i32 to vector<20480xi32>
    %shift_right_logical3A_31 = arith.shrui %bitcast_convert_type3A_25, %shift_right_logical3A_30 : vector<20480xi32>
    %and3A_32 = arith.constant 1 : i32
    %and3A_33 = vector.broadcast %and3A_32 : i32 to vector<20480xi32>
    %and3A_34 = arith.andi %shift_right_logical3A_31, %and3A_33 : vector<20480xi32>
    %add3A_35 = arith.addi %add3A_28, %and3A_34 : vector<20480xi32>
    %shift_right_logical3A_36 = arith.constant 16 : i32
    %shift_right_logical3A_37 = vector.broadcast %shift_right_logical3A_36 : i32 to vector<20480xi32>
    %shift_right_logical3A_38 = arith.shrui %add3A_35, %shift_right_logical3A_37 : vector<20480xi32>
    %or3A = arith.ori %shift_left3A_22, %shift_right_logical3A_38 : vector<20480xi32>
    %bitcast_convert_type3A_39 = tpu.bitcast %or3A : vector<20480xi32> -> vector<20480xf32>
    %swap3A = arith.constant 0 : index
    %swap3A_40 = vector.load %arg6[%swap3A] : memref<20480xf32, #tpu.memory_space<vmem>>, vector<20480xf32>
    tpu.vector_store %arg6[%swap3A], %bitcast_convert_type3A_39 {strides = array<i32>} : memref<20480xf32, #tpu.memory_space<vmem>>, vector<20480xf32>,
    %get3A_41 = arith.constant 0 : index
    %get3A_42 = arith.constant 0 : index
    %get3A_43 = vector.load %arg3[%get3A_41, %get3A_42] : memref<2x128xf32, #tpu.memory_space<vmem>>, vector<2x128xf32>
    %get3A_44 = arith.constant 0 : index
    %get3A_45 = arith.constant 0 : index
    %get3A_46 = vector.load %arg4[%get3A_44, %get3A_45] : memref<128x16xf32, #tpu.memory_space<vmem>>, vector<128x16xf32>
    %dot_general3A_47 = arith.constant dense<0.000000e+00> : vector<2x16xf32>
    %dot_general3A_48 = tpu.matmul %get3A_43, %get3A_46, %dot_general3A_47 {dimension_numbers = #tpu.dot_dimension_numbers<[1], [0], [0], [1], [0, 0, 1, 1], [], []>, transpose_lhs_hint = false} : vector<2x128xf32>, vector<128x16xf32>, vector<2x16xf32> -> vector<2x16xf32>
    %get3A_49 = arith.constant 0 : index
    %get3A_50 = arith.constant 0 : index
    %get3A_51 = vector.load %arg5[%get3A_49, %get3A_50] : memref<2x16xf32, #tpu.memory_space<vmem>>, vector<2x16xf32>
    %add3A_52 = arith.addf %dot_general3A_48, %get3A_51 : vector<2x16xf32>
    %swap3A_53 = arith.constant 0 : index
    %swap3A_54 = arith.constant 0 : index
    %swap3A_55 = vector.load %arg7[%swap3A_53, %swap3A_54] : memref<2x16xf32, #tpu.memory_space<vmem>>, vector<2x16xf32>
    tpu.vector_store %arg7[%swap3A_53, %swap3A_54], %add3A_52 {strides = array<i32>} : memref<2x16xf32, #tpu.memory_space<vmem>>, vector<2x16xf32>,
    return
  }
  func.func @transform_0(%arg0: i32) -> (i32, i32) {
    %c0_i32 = arith.constant 0 : i32
    %c0_i32_0 = arith.constant 0 : i32
    return %c0_i32, %arg0 : i32, i32
  }
  func.func @transform_1(%arg0: i32) -> (i32, i32) {
    %c0_i32 = arith.constant 0 : i32
    %c0_i32_0 = arith.constant 0 : i32
    %c0_i32_1 = arith.constant 0 : i32
    return %c0_i32, %c0_i32_0 : i32, i32
  }
  func.func @transform_2(%arg0: i32) -> (i32, i32) {
    %c0_i32 = arith.constant 0 : i32
    %c0_i32_0 = arith.constant 0 : i32
    %c0_i32_1 = arith.constant 0 : i32
    return %c0_i32, %c0_i32_0 : i32, i32
  }
  func.func @transform_3(%arg0: i32) -> (i32, i32) {
    %c0_i32 = arith.constant 0 : i32
    %c0_i32_0 = arith.constant 0 : i32
    %c0_i32_1 = arith.constant 0 : i32
    return %c0_i32, %c0_i32_0 : i32, i32
  }
  func.func @transform_4(%arg0: i32) -> (i32, i32) {
    %c0_i32 = arith.constant 0 : i32
    %c0_i32_0 = arith.constant 0 : i32
    %c0_i32_1 = arith.constant 0 : i32
    return %c0_i32, %c0_i32_0 : i32, i32
  }
  func.func @transform_5(%arg0: i32) -> i32 {
    %c0_i32 = arith.constant 0 : i32
    return %arg0 : i32
  }
  func.func @transform_6(%arg0: i32) -> (i32, i32) {
    %c0_i32 = arith.constant 0 : i32
    %c0_i32_0 = arith.constant 0 : i32
    %c0_i32_1 = arith.constant 0 : i32
    return %c0_i32, %c0_i32_0 : i32, i32
  }
}

</mosaic_0001>

<sc_bundles>
// kernel: kernel.4.cloned.1.call-start
scs
__scs_entry_jumppad:
0x0: {  	(pc) =	sbr.rel $0x88, $3  }
0x1: {  	(tag) =	ssettag $0x0;
	lr =	simm.s32 $0x1  }
0x2: {  	[smem:$0x3F9B] =	sst lr;
	_ =	strace $0xD0000000  }
0x3: {  	_ = 	snop  }
0x4: {  	_ = 	snop  }
0x5: {  	_ = 	snop  }
0x6: {  	_ = 	snop  }
0x7: {  	_ = 	snop  }
__scs_overlays_trampoline_lowered:
0x8: {  	[smem:$0x3FAA] =	sst s0  }
0x9: {  	[smem:$0x3FAB] =	sst s1  }
0xa: {  	[smem:$0x3FAC] =	sst s2  }
0xb: {  	[smem:$0x3FAD] =	sst s3  }
0xc: {  	[smem:$0x3FAE] =	sst s4  }
0xd: {  	[smem:$0x3FAF] =	sst s5  }
0xe: {  	[smem:$0x3FB0] =	sst s6  }
0xf: {  	[smem:$0x3FB1] =	sst s7  }
0x10: {  	[smem:$0x3FB2] =	sst s8  }
0x11: {  	[smem:$0x3FB3] =	sst s9;
	s0 =	simm.s32 @!p0 $0x0  }
0x12: {  	s1 =	sld [smem:$0x3F99];
	s0 =	simm.s32 @p0 $0x1  }
0x13: {  	[smem:$0x3FB4] =	sst s0;
	s0 =	simm.s32 @!p1 $0x0  }
0x14: {  	s2 =	sld [smem:$0x3F98];
	s0 =	simm.s32 @p1 $0x1  }
0x15: {  	[smem:$0x3FB5] =	sst s0;
	s0 =	simm.s32 @!p2 $0x0  }
0x16: {  	s3 =	sld [smem:$0x3FDB];
	s0 =	simm.s32 @p2 $0x1  }
0x17: {  	s4 =	simm.s32 $0x1BF5;
	[smem:$0x3FB7] =	sst s0  }
0x18: {  	s0 =	sld [smem:$0x3F9A];
	_ =	swait.ge [sflag:s4], $0x0  }
0x19: {  	s7 =	sld [smem:$0x3F9B]  }
0x1a: {  	s8 =	sadd.s32 $0xFFFFE003, lr  }
0x1b: {  	s9 =	sadd.s32 $0xFFFFFEF7, lr;
	s5 =	simm.s32 $0xFFFFFFFF;
	p2 =	slt.u32 s8, $0xFFFFF086  }
0x1c: {  	p1 =	slt.u32 s9, $0xF7A;
	s5 =	simm.s32 @!p2 $0x0  }
0x1d: {  	s5 =	simm.s32 @p1 $0x1;
	p0 =	seq.s32 s7, s2  }
0x1e: {  	s7 =	smul.u32 @!p0 $0xF7A, s2;
	p2 =	seq.s32 @!p0 s5, $0x0  }
0x1f: {  	s9 =	smul.u32 $0xF7A, s1;
	s8 =	simm.s32 @!p0 $0x1BF5;
	p2 =	por !p2, p0  }
0x20: {  	[sflag:s8] =	ssyncset.s32 @!p0 $0xFFFFF086;
	s6 =	sadd.s32 @!p0 s3, s7;
	s7 =	simm.s32 @!p0 $0x108  }
0x21: {  	s3 =	sadd.s32 s3, s9;
	s6 =	sadd.s32 @!p0 $0x88, s6;
	s7 =	simm.s32 @p2 $0x1082  }
0x22: {  	[simem:s7], [sflag:s8] =	dma.local @!p0 [hbm:s6], $0xF7A  }
0x23: {  	s9 =	sor.u32 $0xD0000000, s2;
	s6 =	simm.s32 $0x108;
	_ =	swait.ge @!p0 [sflag:s8], $0x0  }
0x24: {  	s3 =	sadd.s32 $0x88, s3;
	s6 =	simm.s32 @!p1 $0x1082;
	[sflag:s4] =	ssyncset.s32 $0xFFFFF086  }
0x25: {  	[simem:s6], [sflag:s4] =	dma.local [hbm:s3], $0xF7A  }
0x26: {  	[smem:$0x3F9B] =	sst s1;
	(tag) =	ssettag s2;
	_ =	strace s9  }
0x27: {  	s1 =	sld [smem:$0x3FAB]  }
0x28: {  	s2 =	sld [smem:$0x3FAC]  }
0x29: {  	s4 =	sld [smem:$0x3FAE]  }
0x2a: {  	p0 =	seq.s32 s5, $0x0;
	s5 =	sld [smem:$0x3FAF]  }
0x2b: {  	s6 =	sld [smem:$0x3FB0]  }
0x2c: {  	s7 =	sld [smem:$0x3FB1]  }
0x2d: {  	s3 =	simm.s32 $0x108;
	s8 =	sld [smem:$0x3FB2]  }
0x2e: {  	s3 =	simm.s32 @!p0 $0x1082;
	s9 =	sld [smem:$0x3FB3]  }
0x2f: {  	lr =	sadd.s32 s0, s3;
	s0 =	sld [smem:$0x3FAA]  }
0x30: {  	s3 =	sld [smem:$0x3FAD]  }
0x31: {  	[smem:$0x3FB6] =	sst s10  }
0x32: {  	s10 =	sld [smem:$0x3FB4];
	_ =	sdelay $0x3  }
0x33: {  	p0 =	seq.s32 s10, $0x1;
	s10 =	sld [smem:$0x3FB6];
	_ =	sdelay $0x3  }
0x34: {  	[smem:$0x3FB6] =	sst s10  }
0x35: {  	s10 =	sld [smem:$0x3FB5];
	_ =	sdelay $0x3  }
0x36: {  	p1 =	seq.s32 s10, $0x1;
	s10 =	sld [smem:$0x3FB6];
	_ =	sdelay $0x3  }
0x37: {  	[smem:$0x3FB6] =	sst s10  }
0x38: {  	s10 =	sld [smem:$0x3FB7]  }
0x39: {  	_ = 	snop;
	(pc) =	sbr.ind lr, $3  }
0x3a: {  	_ = 	snop  }
0x3b: {  	_ = 	snop  }
0x3c: {  	p2 =	seq.s32 s10, $0x1;
	s10 =	sld [smem:$0x3FB6]  }
0x3d: {  	_ =	shalt  }
0x3e: {  	_ =	shalt  }
0x3f: {  	_ =	shalt  }
0x40: {  	_ =	shalt  }
0x41: {  	_ =	shalt  }
0x42: {  	_ =	shalt  }
0x43: {  	_ =	shalt  }
0x44: {  	_ =	shalt  }
0x45: {  	_ =	shalt  }
0x46: {  	_ =	shalt  }
0x47: {  	_ =	shalt  }
0x48: {  	_ =	shalt  }
0x49: {  	_ =	shalt  }
0x4a: {  	_ =	shalt  }
0x4b: {  	_ =	shalt  }
0x4c: {  	_ =	shalt  }
0x4d: {  	_ =	shalt  }
0x4e: {  	_ =	shalt  }
0x4f: {  	_ =	shalt  }
0x50: {  	_ =	shalt  }
0x51: {  	_ =	shalt  }
0x52: {  	_ =	shalt  }
0x53: {  	_ =	shalt  }
0x54: {  	_ =	shalt  }
0x55: {  	_ =	shalt  }
0x56: {  	_ =	shalt  }
0x57: {  	_ =	shalt  }
0x58: {  	_ =	shalt  }
0x59: {  	_ =	shalt  }
0x5a: {  	_ =	shalt  }
0x5b: {  	_ =	shalt  }
0x5c: {  	_ =	shalt  }
0x5d: {  	_ =	shalt  }
0x5e: {  	_ =	shalt  }
0x5f: {  	_ =	shalt  }
0x60: {  	_ =	shalt  }
0x61: {  	_ =	shalt  }
0x62: {  	_ =	shalt  }
0x63: {  	_ =	shalt  }
0x64: {  	_ =	shalt  }
0x65: {  	_ =	shalt  }
0x66: {  	_ =	shalt  }
0x67: {  	_ =	shalt  }
0x68: {  	_ =	shalt  }
0x69: {  	_ =	shalt  }
0x6a: {  	_ =	shalt  }
0x6b: {  	_ =	shalt  }
0x6c: {  	_ =	shalt  }
0x6d: {  	_ =	shalt  }
0x6e: {  	_ =	shalt  }
0x6f: {  	_ =	shalt  }
0x70: {  	_ =	shalt  }
0x71: {  	_ =	shalt  }
0x72: {  	_ =	shalt  }
0x73: {  	_ =	shalt  }
0x74: {  	_ =	shalt  }
0x75: {  	_ =	shalt  }
0x76: {  	_ =	shalt  }
0x77: {  	_ =	shalt  }
0x78: {  	_ =	shalt  }
0x79: {  	_ =	shalt  }
0x7a: {  	_ =	shalt  }
0x7b: {  	_ =	shalt  }
0x7c: {  	_ =	shalt  }
0x7d: {  	_ =	shalt  }
0x7e: {  	_ =	shalt  }
0x7f: {  	_ =	shalt  }
0x80: {  	_ =	shalt  }
0x81: {  	_ =	shalt  }
0x82: {  	_ =	shalt  }
0x83: {  	_ =	shalt  }
0x84: {  	_ =	shalt  }
0x85: {  	_ =	shalt  }
0x86: {  	_ =	shalt  }
0x87: {  	_ =	shalt  }
.Lfunc_end0:
.L_simem_size_0:
called_computation_lowered:
.L_overlay_start_0:
0x88: {  	s2 =	sld [smem:$0x3FD9]  }
0x89: {  	s3 =	sld [smem:$0x3FFE];
	_ =	sdelay $0x1  }
0x8a: {  	s1 =	srdreg.scid  }
0x8b: {  	s0 =	sand.u32 $0x1, s1  }
0x8c: {  	s17 =	sshll.u32 s0, $0xA;
	s2 =	sadd.s32 s3, s2  }
0x8d: {  	s2 =	sadd.s32 s2, s17  }
0x8e: {  	[smem:$0x3FC2] =	sst s2  }
0x8f: {  	_ = 	snop  }
0x90: {  	s2 =	sld [smem:$0x3FD0];
	(tm) =	ssettm $0x1  }
0x91: {  	s18 =	sld [smem:$0x3FFB];
	_ =	sdelay $0x3  }
0x92: {  	_ =	strace s18  }
0x93: {  	s3 =	sld [smem:$0x3FFC];
	_ =	sdelay $0x3  }
0x94: {  	_ =	strace s3  }
0x95: {  	s3 =	sld [smem:$0x3FFD];
	_ =	sdelay $0x3  }
0x96: {  	_ =	strace s3  }
0x97: {  	_ =	strace $0x8FFFFFFF  }
0x98: {  	s19 =	sld [smem:$0x3FDB];
	_ =	sdelay $0x1  }
0x99: {  	s4 =	simm.s32 $_scs_section_size  }
0x9a: {  	s5 =	simm.s32 $_size__tile_overlayer_lowered;
	s6 =	simm.s32 $_tile_overlayer_lowered  }
0x9b: {  	s22 =	simm.s32 $0x1BFF;
	s21 =	sshll.u32 s6, $0x1;
	s3 =	sadd.s32 s4, s19  }
0x9c: {  	s7 =	simm.s32 $0x0;
	s20 =	sshll.u32 s5, $0x1;
	s5 =	sadd.s32 s21, s3  }
0x9d: {  	[timem:s7], [sflag:s22] =	dma.local [hbm:s5], s20  }
0x9e: {  	_ =	swait.ge [sflag:s22], s20  }
0x9f: {  	s4 =	ssub.s32 $0x0, s20;
	[sflag:s22] =	ssyncset.done $0x0  }
0xa0: {  	[sflag:s22] =	ssyncadd.s32 s4;
	_ =	sdelay $0x1  }
0xa1: {  	s23 =	simm.s32 $0x1B8B  }
0xa2: {  	_ =	swait.ge [sflag:s23], $0x1  }
0xa3: {  	[sflag:s23] =	ssyncset.done $0x0  }
0xa4: {  	s25 =	simm.s32 $0x1B8E;
	s24 =	sld [smem:$0x3FFE];
	[sflag:s23] =	ssyncadd.s32 $0xFFFFFFFF  }
0xa5: {  	s26 =	simm.s32 $execute0_lowered;
	[smem:$0x3FD2] =	sst s25  }
0xa6: {  	s5 =	sshll.u32 s26, $0x1;
	_ =	strace $0x80000046;
	[dreg:$0x1] =	wrdreg $0xFFFFFFFF  }
0xa7: {  	s28 =	simm.s32 $_size_execute0_lowered;
	s3 =	sadd.s32 s3, s5;
	[dreg:$0x0] =	wrdreg $0x0  }
0xa8: {  	s5 =	sshll.u32 s28, $0x1;
	[dreg:$0x2] =	wrdreg s3  }
0xa9: {  	[dreg:$0x3] =	wrdreg s5  }
0xaa: {  	[dreg:$0x4] =	wrdreg $0xC0  }
0xab: {  	_ =	task [dreg:s7], $0x5FFFF  }
0xac: {  	[dreg:$0x1] =	wrdreg $0xFFFFFFFF  }
0xad: {  	[dreg:$0x0] =	wrdreg $0x60  }
0xae: {  	[dreg:$0x2] =	wrdreg s24  }
0xaf: {  	[dreg:$0x3] =	wrdreg s2  }
0xb0: {  	[dreg:$0x4] =	wrdreg $0x9  }
0xb1: {  	_ =	task.clear_ibuf [dreg:s7], $0x5FFFF;
	_ =	strace $0x90000046  }
0xb2: {  	s29 =	simm.s32 $0x9;
	_ =	strace $0x80000048  }
0xb3: {  	_ =	swait.ge [sflag:s29], $0x1  }
0xb4: {  	[sflag:s29] =	ssyncadd.s32 $0xFFFFFFFF  }
0xb5: {  	_ =	strace $0x90000048  }
0xb6: {  	_ =	sfence  }
0xb7: {  	s30 =	sld [smem:$0x0];
	_ =	sdelay $0x2  }
0xb8: {  	s31 =	sshll.u32 s1, $0xD;
	s1 =	sshrl.u32 s1, $0x2  }
0xb9: {  	s3 =	sand.u32 $0x4000, s31;
	s1 =	sadd.s32 s1, s30  }
0xba: {  	s0 =	sor.u32 s3, s0;
	s1 =	sshll.u32 s1, $0x11  }
0xbb: {  	s0 =	sor.u32 s1, s0  }
0xbc: {  	s0 =	sadd.s32 $0x8F2B, s0  }
0xbd: {  	[sflag:s0] =	ssyncadd.remote.s32 $0x1  }
0xbe: {  	_ =	sfence.sel $0xFFFF  }
0xbf: {  	[dreg:$0x0] =	wrdreg $0xFFFFFFFF;
	(pc) =	sbr.abs _section_cstart, $3  }
0xc0: {  	[dreg:$0x1] =	wrdreg $0xFFFFFFFF  }
0xc1: {  	_ =	task.clear_ibuf [dreg:s7], $0x2FFFF;
	_ =	strace $0x9FFFFFFF  }
0xc2: {  	(tm) =	ssettm $0x7FFFFFFF  }
0xc3: {  	_ =	shalt  }
tec
execute0_lowered:
.L_overlay_start_1:
0x0: {  	(tag) =	ssettag $0x1  }
0x1: {  	s5 =	rddreg [dreg:$0x0]  }
0x2: {  	s2 =	rddreg [dreg:$0x1];
	s4 =	srdreg.scid;
	s3 =	simm.s32 $0x0  }
0x3: {  	s0 =	stileid.u32;
	s10 =	simm.s32 $0x6720;
	s11 =	simm.s32 $0x5  }
0x4: {  	s12 =	simm.s32 $0x80;
	s13 =	simm.s32 $0x1000;
	s14 =	simm.s32 $0x6700  }
0x5: {  	s15 =	simm.s32 $0x6400;
	s16 =	simm.s32 $0x6480;
	s17 =	simm.s32 $0x100  }
0x6: {  	s18 =	simm.s32 $0x6500;
	s19 =	simm.s32 $0x180;
	s20 =	simm.s32 $0x6580  }
0x7: {  	s21 =	simm.s32 $0x1;
	s22 =	simm.s32 $0x2;
	s23 =	simm.s32 $0x3  }
0x8: {  	s24 =	simm.s32 $0x4;
	s25 =	simm.s32 $0x6600;
	s26 =	simm.s32 $0x6680  }
0x9: {  	s28 =	simm.s32 $0x0;
	s4 =	sand.u32 $0x1, s4;
	[smem:$0x7FF] =	sst s3  }
.Ltmp0:
0xa: {  	s6 =	sshll.u32 s0, $0x5;
	s7 =	sshll.u32 s4, $0x4;
	(pc) =	sbr.rel .LBB2_1-.Ltmp0, $4  }
0xb: {  	_ =	strace $0x80000047;
	s30 =	ssub.s32 $0x2, s4;
	s6 =	sor.u32 s7, s6  }
0xc: {  	s4 =	sadd.s32 $0xC00, s5;
	s31 =	sshrl.u32 s30, $0x1;
	s8 =	sadd.s32 s6, s5  }
0xd: {  	s5 =	sadd.s32 $0x38600, s5;
	s9 =	ssub.s32 s30, s31;
	s6 =	sadd.s32 $0x1F600, s8  }
0xe: {  	s7 =	sadd.s32 $0x38800, s8;
	s8 =	sadd.s32 $0x38A00, s8;
	s9 =	smax.u32 s9, $0x1  }
.LBB2_4:
0xf: {  	v0 =	vld [tilespmem:$0x6700]  }
0x10: {  	v17 =	vld [tilespmem:$0x6710];
	_ =	sdelay $0x1  }
0x11: {  	v16 =	vmul.f32 $4.999999890e-03, v16  }
0x12: {  	v13 =	vmul.f32 $4.999999890e-03, v13  }
0x13: {  	v15 =	vmul.f32 $4.999999890e-03, v15;
	v16 =	vadd.f32 v0, v16  }
0x14: {  	v12 =	vmul.f32 $4.999999890e-03, v12;
	v13 =	vadd.f32 v17, v13  }
0x15: {  	v14 =	vmul.f32 $4.999999890e-03, v14;
	v15 =	vadd.f32 v0, v15;
	[tilespmem:$0x6600] =	vst v16  }
0x16: {  	v10 =	vmul.f32 $4.999999890e-03, v10;
	v12 =	vadd.f32 v17, v12;
	[tilespmem:$0x6680] =	vst v13  }
0x17: {  	v11 =	vmul.f32 $4.999999890e-03, v11;
	v63 =	vadd.f32 v0, v14;
	[tilespmem:$0x6610] =	vst v15  }
0x18: {  	v8 =	vmul.f32 $4.999999890e-03, v8;
	v10 =	vadd.f32 v17, v10;
	[tilespmem:$0x6690] =	vst v12  }
0x19: {  	v9 =	vmul.f32 $4.999999890e-03, v9;
	v11 =	vadd.f32 v0, v11;
	[tilespmem:$0x6620] =	vst v63  }
0x1a: {  	v6 =	vmul.f32 $4.999999890e-03, v6;
	v8 =	vadd.f32 v17, v8;
	[tilespmem:$0x66A0] =	vst v10  }
0x1b: {  	v7 =	vmul.f32 $4.999999890e-03, v7;
	v9 =	vadd.f32 v0, v9;
	[tilespmem:$0x6630] =	vst v11  }
0x1c: {  	v4 =	vmul.f32 $4.999999890e-03, v4;
	v6 =	vadd.f32 v17, v6;
	[tilespmem:$0x66B0] =	vst v8  }
0x1d: {  	v5 =	vmul.f32 $4.999999890e-03, v5;
	v7 =	vadd.f32 v0, v7;
	[tilespmem:$0x6640] =	vst v9  }
0x1e: {  	v2 =	vmul.f32 $4.999999890e-03, v2;
	v4 =	vadd.f32 v17, v4;
	[tilespmem:$0x66C0] =	vst v6  }
0x1f: {  	v3 =	vmul.f32 $4.999999890e-03, v3;
	v5 =	vadd.f32 v0, v5;
	[tilespmem:$0x6650] =	vst v7  }
0x20: {  	v1 =	vmul.f32 $4.999999890e-03, v1;
	v2 =	vadd.f32 v17, v2;
	[tilespmem:$0x66D0] =	vst v4  }
0x21: {  	v0 =	vadd.f32 v0, v3;
	[tilespmem:$0x6660] =	vst v5  }
0x22: {  	v1 =	vadd.f32 v17, v1;
	[tilespmem:$0x66E0] =	vst v2  }
0x23: {  	[tilespmem:$0x6670] =	vst v0  }
0x24: {  	[tilespmem:$0x66F0] =	vst v1  }
0x25: {  	[hbm4b:s7+s3] =	stream.linear.scatter [tilespmem:s25], [sflag:$0x5], $0x80, $0x38;
	[tilespmem:$0x6730] =	vst v63  }
0x26: {  	s28 =	sadd.s32 $0x1, s28;
	_ =	swait.ge [sflag:s11], $0x80  }
0x27: {  	p0 =	sne.s32 s28, s9;
	[sflag:s11] =	ssyncset.done $0x0  }
.Ltmp1:
0x28: {  	[sflag:s11] =	ssyncadd.s32 $0xFFFFFF80;
	(pc) =	sbr.rel @!p0 .LBB2_5-.Ltmp1, $4  }
0x29: {  	[hbm4b:s8+s3] =	stream.linear.scatter [tilespmem:s26], [sflag:$0x5], $0x80, $0x38;
	[tilespmem:$0x6730] =	vst v63  }
0x2a: {  	_ =	swait.ge [sflag:s11], $0x80  }
0x2b: {  	[sflag:s11] =	ssyncset.done $0x0  }
0x2c: {  	[sflag:s11] =	ssyncadd.s32 $0xFFFFFF80  }
.LBB2_1:
0x2d: {  	[tilespmem:s10], [sflag:$0x5] =	stream.linear.gather [hbm4b:s5+s3], $0x1, $0x38;
	[tilespmem:$0x6730] =	vst v63  }
0x2e: {  	_ =	swait.ge [sflag:s11], $0x1  }
0x2f: {  	[sflag:s11] =	ssyncset.done $0x0  }
0x30: {  	[sflag:s11] =	ssyncadd.s32 $0xFFFFFFFF  }
0x31: {  	v0 =	vld.msk [tilespmem:$0x6720 ss:$0x0], $0xffff;
	[tilespmem:s3], [sflag:$0x5] =	stream.strided.gather [hbm4b:s6+s12], $0x6400, s13, s12, $0x38  }
0x32: {  	_ =	swait.ge [sflag:s11], $0x6400  }
0x33: {  	[sflag:s11] =	ssyncset.done $0x0  }
0x34: {  	[sflag:s11] =	ssyncadd.s32 $0xFFFF9C00  }
0x35: {  	[tilespmem:s14], [sflag:$0x5] =	stream.linear.gather [hbm4b:s2+s3], $0x20, $0x38;
	[tilespmem:$0x6730] =	vst v63  }
0x36: {  	_ =	swait.ge [sflag:s11], $0x20  }
0x37: {  	[sflag:s11] =	ssyncset.done $0x0  }
0x38: {  	[sflag:s11] =	ssyncadd.s32 $0xFFFFFFE0  }
0x39: {  	[tilespmem:s15], [sflag:$0x1] =	stream.indirect.gather [hbm4b:s4+s12], $0x1, s3, s12, $0xb8;
	[tilespmem:$0x6730] =	vst v63  }
0x3a: {  	v1 =	vimm.f32 $0.0e+00  }
0x3b: {  	v2 =	vimm.f32 $0.0e+00;
	v4 =	vimm.f32 $0.0e+00;
	v6 =	vimm.f32 $0.0e+00;
	[tilespmem:s16], [sflag:$0x2] =	stream.indirect.gather [hbm4b:s4+s12], $0x1, s12, s12, $0xb8;
	[tilespmem:$0x6730] =	vst v63  }
0x3c: {  	v8 =	vimm.f32 $0.0e+00;
	v10 =	vimm.f32 $0.0e+00;
	v12 =	vimm.f32 $0.0e+00  }
0x3d: {  	v13 =	vimm.f32 $0.0e+00;
	v3 =	vimm.f32 $0.0e+00;
	v5 =	vimm.f32 $0.0e+00;
	[tilespmem:s18], [sflag:$0x3] =	stream.indirect.gather [hbm4b:s4+s12], $0x1, s17, s12, $0xb8;
	[tilespmem:$0x6730] =	vst v63  }
0x3e: {  	v7 =	vimm.f32 $0.0e+00;
	v9 =	vimm.f32 $0.0e+00;
	v11 =	vimm.f32 $0.0e+00;
	s29 =	simm.s32 $0xFFFE7800  }
0x3f: {  	v14 =	vimm.f32 $0.0e+00;
	v15 =	vimm.f32 $0.0e+00;
	v16 =	vimm.f32 $0.0e+00;
	[tilespmem:s20], [sflag:$0x4] =	stream.indirect.gather [hbm4b:s4+s12], $0x1, s19, s12, $0xb8;
	[tilespmem:$0x6730] =	vst v63  }
.LBB2_2:
0x40: {  	_ =	swait.ge [sflag:s21], $0x80  }
0x41: {  	[sflag:s21] =	ssyncset.done $0x0  }
0x42: {  	[sflag:s21] =	ssyncadd.s32 $0xFFFFFF80  }
0x43: {  	v17 =	vld [tilespmem:$0x6400]  }
0x44: {  	v18 =	vld [tilespmem:$0x6410]  }
0x45: {  	v19 =	vld [tilespmem:$0x6420]  }
0x46: {  	v21 =	vld [tilespmem:$0x6440]  }
0x47: {  	p0 =	seq.s32 s29, $0x0;
	v23 =	vld [tilespmem:$0x6460]  }
0x48: {  	s31 =	sshra.s32 @!p0 s29, $0x2;
	v24 =	vld [tilespmem:$0x6470]  }
0x49: {  	s30 =	simm.s32 @!p0 $0x80;
	s1 =	simm.s32 @!p0 $0x6400;
	s0 =	sadd.s32 @!p0 $0x6400, s31;
	v20 =	vld [tilespmem:$0x6430]  }
0x4a: {  	v22 =	vld [tilespmem:$0x6450];
	[tilespmem:s1], [sflag:$0x1] =	stream.indirect.gather @!p0 [hbm4b:s4+s30], $0x1, s0, s30, $0xb8  }
0x4b: {  	_ =	swait.ge [sflag:s22], $0x80;
	v25 =	vand.u32 v0, v17  }
0x4c: {  	[sflag:s22] =	ssyncset.done $0x0;
	v17 =	vshll.u32 v17, $0x10;
	v39 =	vshll.u32 v21, $0x10;
	v42 =	vshll.u32 v23, $0x10  }
0x4d: {  	[sflag:s22] =	ssyncadd.s32 $0xFFFFFF80;
	v43 =	vand.u32 v0, v24;
	v44 =	vshll.u32 v24, $0x10;
	v16 =	vadd.f32 v25, v16  }
0x4e: {  	v38 =	vld [tilespmem:$0x6490];
	v13 =	vadd.f32 v17, v13;
	v17 =	vand.u32 v0, v18;
	v6 =	vadd.f32 v39, v6  }
0x4f: {  	v40 =	vld [tilespmem:$0x64B0];
	v18 =	vshll.u32 v18, $0x10;
	v2 =	vadd.f32 v42, v2;
	v3 =	vadd.f32 v43, v3  }
0x50: {  	v41 =	vld [tilespmem:$0x64C0];
	v1 =	vadd.f32 v44, v1;
	v15 =	vadd.f32 v17, v15;
	v17 =	vand.u32 v0, v19  }
0x51: {  	v26 =	vld [tilespmem:$0x64D0];
	v12 =	vadd.f32 v18, v12;
	v19 =	vshll.u32 v19, $0x10;
	v14 =	vadd.f32 v17, v14  }
0x52: {  	v45 =	vld [tilespmem:$0x64F0];
	v17 =	vand.u32 v0, v20;
	v10 =	vadd.f32 v19, v10;
	v19 =	vshll.u32 v20, $0x10  }
0x53: {  	v18 =	vld [tilespmem:$0x6480];
	v11 =	vadd.f32 v17, v11;
	v8 =	vadd.f32 v19, v8  }
0x54: {  	v19 =	vand.u32 v0, v21;
	v47 =	vand.u32 v0, v38;
	v21 =	vshll.u32 v40, $0x10  }
0x55: {  	v17 =	vld [tilespmem:$0x64A0];
	v20 =	vshll.u32 v41, $0x10;
	v9 =	vadd.f32 v19, v9;
	v19 =	vand.u32 v0, v22  }
0x56: {  	s0 =	sadd.s32 @!p0 $0x6480, s31;
	s1 =	simm.s32 @!p0 $0x6480;
	v49 =	vand.u32 v0, v26;
	v7 =	vadd.f32 v19, v7;
	v19 =	vand.u32 v0, v23  }
0x57: {  	v54 =	vand.u32 v0, v45;
	v22 =	vshll.u32 v22, $0x10;
	v5 =	vadd.f32 v19, v5;
	v19 =	vld [tilespmem:$0x64E0];
	[tilespmem:s1], [sflag:$0x2] =	stream.indirect.gather @!p0 [hbm4b:s4+s30], $0x1, s0, s30, $0xb8  }
0x58: {  	v15 =	vadd.f32 v47, v15;
	v46 =	vand.u32 v0, v18;
	v18 =	vshll.u32 v18, $0x10;
	_ =	swait.ge [sflag:s23], $0x80  }
0x59: {  	v6 =	vadd.f32 v20, v6;
	v13 =	vadd.f32 v18, v13;
	v18 =	vshll.u32 v38, $0x10;
	[sflag:s23] =	ssyncset.done $0x0  }
0x5a: {  	v3 =	vadd.f32 v54, v3;
	v12 =	vadd.f32 v18, v12;
	v18 =	vand.u32 v0, v17;
	[sflag:s23] =	ssyncadd.s32 $0xFFFFFF80  }
0x5b: {  	v4 =	vadd.f32 v22, v4;
	v17 =	vshll.u32 v17, $0x10;
	v14 =	vadd.f32 v18, v14;
	v18 =	vld [tilespmem:$0x6500]  }
0x5c: {  	v8 =	vadd.f32 v21, v8;
	v10 =	vadd.f32 v17, v10;
	v17 =	vand.u32 v0, v40;
	v48 =	vld [tilespmem:$0x6510]  }
0x5d: {  	v16 =	vadd.f32 v46, v16;
	v11 =	vadd.f32 v17, v11;
	v17 =	vand.u32 v0, v41;
	v51 =	vld [tilespmem:$0x6530]  }
0x5e: {  	v50 =	vshll.u32 v26, $0x10;
	v7 =	vadd.f32 v49, v7;
	v9 =	vadd.f32 v17, v9;
	v17 =	vld [tilespmem:$0x6520]  }
0x5f: {  	v4 =	vadd.f32 v50, v4;
	v53 =	vld [tilespmem:$0x6540];
	v52 =	vand.u32 v0, v19;
	v19 =	vshll.u32 v19, $0x10  }
0x60: {  	v55 =	vld [tilespmem:$0x6550];
	v5 =	vadd.f32 v52, v5;
	v2 =	vadd.f32 v19, v2;
	v19 =	vshll.u32 v45, $0x10  }
0x61: {  	s0 =	sadd.s32 @!p0 $0x6500, s31;
	s1 =	simm.s32 @!p0 $0x6500;
	v56 =	vld [tilespmem:$0x6560];
	v1 =	vadd.f32 v19, v1;
	v19 =	vand.u32 v0, v18;
	v18 =	vshll.u32 v18, $0x10  }
0x62: {  	v57 =	vld [tilespmem:$0x6570];
	[tilespmem:s1], [sflag:$0x3] =	stream.indirect.gather @!p0 [hbm4b:s4+s30], $0x1, s0, s30, $0xb8;
	v16 =	vadd.f32 v19, v16;
	v13 =	vadd.f32 v18, v13;
	v18 =	vand.u32 v0, v48  }
0x63: {  	_ =	swait.ge [sflag:s24], $0x80;
	v19 =	vshll.u32 v48, $0x10;
	v15 =	vadd.f32 v18, v15;
	v18 =	vand.u32 v0, v17  }
0x64: {  	[sflag:s24] =	ssyncset.done $0x0;
	v12 =	vadd.f32 v19, v12;
	v17 =	vshll.u32 v17, $0x10;
	v14 =	vadd.f32 v18, v14  }
0x65: {  	[sflag:s24] =	ssyncadd.s32 $0xFFFFFF80;
	v10 =	vadd.f32 v17, v10;
	v17 =	vand.u32 v0, v51;
	v18 =	vshll.u32 v51, $0x10  }
0x66: {  	v11 =	vadd.f32 v17, v11;
	v8 =	vadd.f32 v18, v8;
	v17 =	vand.u32 v0, v53;
	v18 =	vld [tilespmem:$0x6580]  }
0x67: {  	v19 =	vshll.u32 v53, $0x10;
	v9 =	vadd.f32 v17, v9;
	v17 =	vand.u32 v0, v55  }
0x68: {  	v6 =	vadd.f32 v19, v6;
	v19 =	vshll.u32 v55, $0x10;
	v7 =	vadd.f32 v17, v7;
	v17 =	vld [tilespmem:$0x6590]  }
0x69: {  	v20 =	vshll.u32 v56, $0x10;
	v58 =	vld [tilespmem:$0x65A0];
	v4 =	vadd.f32 v19, v4;
	v19 =	vand.u32 v0, v56  }
0x6a: {  	v59 =	vld [tilespmem:$0x65B0];
	v60 =	vshll.u32 v57, $0x10;
	v5 =	vadd.f32 v19, v5;
	v19 =	vand.u32 v0, v57  }
0x6b: {  	v61 =	vld [tilespmem:$0x65D0];
	v2 =	vadd.f32 v20, v2;
	v3 =	vadd.f32 v19, v3;
	v19 =	vand.u32 v0, v18  }
0x6c: {  	v1 =	vadd.f32 v60, v1;
	v18 =	vshll.u32 v18, $0x10;
	v16 =	vadd.f32 v19, v16;
	v19 =	vld [tilespmem:$0x65C0]  }
0x6d: {  	v13 =	vadd.f32 v18, v13;
	v18 =	vand.u32 v0, v17;
	v17 =	vshll.u32 v17, $0x10  }
0x6e: {  	v15 =	vadd.f32 v18, v15;
	v12 =	vadd.f32 v17, v12;
	v17 =	vand.u32 v0, v58;
	v18 =	vld [tilespmem:$0x65E0]  }
0x6f: {  	v21 =	vshll.u32 v58, $0x10;
	v14 =	vadd.f32 v17, v14;
	v17 =	vand.u32 v0, v59  }
0x70: {  	v20 =	vshll.u32 v59, $0x10;
	v63 =	vshll.u32 v61, $0x10;
	v11 =	vadd.f32 v17, v11;
	v17 =	vld [tilespmem:$0x65F0]  }
0x71: {  	v10 =	vadd.f32 v21, v10;
	v62 =	vand.u32 v0, v19;
	v19 =	vshll.u32 v19, $0x10  }
.Ltmp2:
0x72: {  	v8 =	vadd.f32 v20, v8;
	v6 =	vadd.f32 v19, v6;
	v19 =	vand.u32 v0, v61;
	(pc) =	sbr.rel @p0 .LBB2_4-.Ltmp2, $4  }
0x73: {  	v4 =	vadd.f32 v63, v4;
	v7 =	vadd.f32 v19, v7;
	v19 =	vand.u32 v0, v18  }
0x74: {  	v9 =	vadd.f32 v62, v9;
	v18 =	vshll.u32 v18, $0x10;
	v5 =	vadd.f32 v19, v5  }
0x75: {  	v2 =	vadd.f32 v18, v2;
	v18 =	vand.u32 v0, v17;
	v17 =	vshll.u32 v17, $0x10  }
0x76: {  	v3 =	vadd.f32 v18, v3;
	v1 =	vadd.f32 v17, v1  }
.Ltmp3:
0x77: {  	(pc) =	sbr.rel .LBB2_2-.Ltmp3, $4  }
0x78: {  	_ = 	snop  }
0x79: {  	s0 =	sshra.s32 s29, $0x2  }
0x7a: {  	s29 =	sadd.s32 $0x800, s29;
	s0 =	sadd.s32 $0x6580, s0  }
0x7b: {  	[tilespmem:s20], [sflag:$0x4] =	stream.indirect.gather [hbm4b:s4+s12], $0x1, s0, s12, $0xb8;
	[tilespmem:$0x6730] =	vst v63  }
.LBB2_5:
0x7c: {  	_ =	sfence.sel $0x180000  }
0x7d: {  	[bflag:$0x0] =	sbarrier.arrive $0xFFFF  }
0x7e: {  	_ =	strace $0x90000047  }
0x7f: {  	s0 =	stileid.u32;
	[bflag:$0x2] =	sbarrier.arrive $0xFFFF  }
0x80: {  	p0 =	sne.s32 s0, $0x0;
	s0 =	rddreg [dreg:$0x2]  }
0x81: {  	s0 =	sadd.s32 @!p0 $0x100000, s0  }
0x82: {  	[sflag:s0] =	ssyncadd.tile.s32 @!p0 $0x1;
	_ =	shalt  }
.Lfunc_end2:
_tile_overlayer_lowered:
.L_overlay_start_2:
0x83: {  	(tag) =	ssettag $0x2  }
0x84: {  	s0 =	rddreg [dreg:$0x0];
	s2 =	stileid.u32  }
0x85: {  	s1 =	rddreg [dreg:$0x1];
	p0 =	sne.s32 s2, $0x0  }
0x86: {  	s3 =	rddreg [dreg:$0x2];
	[bflag:$0x3] =	sbarrier.arrive $0xFFFF;
	s2 =	simm.s32 @!p0 $0x1C05  }
0x87: {  	[timem:s3], [sflag:s2] =	dma.local @!p0 [hbm:s0], s1  }
0x88: {  	s0 =	simm.s32 @!p0 $0x5  }
0x89: {  	_ =	swait.ge @!p0 [sflag:s0], s1  }
0x8a: {  	s1 =	ssub.s32 @!p0 $0x0, s1;
	[sflag:s0] =	ssyncset.done @!p0 $0x0  }
0x8b: {  	[sflag:s0] =	ssyncadd.s32 @!p0 s1  }
0x8c: {  	[bflag:$0x3] =	sbarrier.arrive $0xFFFF  }
0x8d: {  	_ =	shalt  }

</sc_bundles>
